<compile_context>
chip_gen: v7x
topology: tpu7x:2x2x1
jax: 0.10.2.dev20260603
libtpu: 0.0.44.dev20260713+nightly
codegen_flags: <defaults>
</compile_context>

<pallas_src>
import functools

import jax
import jax.numpy as jnp
from jax import lax
from jax.experimental import pallas as pl
from jax.experimental.pallas import tpu as pltpu
from jax.experimental.pallas import tpu_sc as plsc

VOCAB = 128
B = 4096
T = 2
STEPS = T + 1
L = 50

NW = 32
SPW = B // NW
NSEG_W = SPW * STEPS
NBUF = 4
NLC = VOCAB // 16
FLUSH_ROWS = 48
FLUSHES_W = NSEG_W // FLUSH_ROWS
ITERS_PER_FLUSH = FLUSH_ROWS // NBUF


def _sc_gather_sum(gs3, table):
    mesh = plsc.VectorSubcoreMesh(core_axis_name="c", subcore_axis_name="s")

    @functools.partial(
        pl.kernel,
        out_type=jax.ShapeDtypeStruct(
            (NW * FLUSHES_W, FLUSH_ROWS, VOCAB), jnp.float32
        ),
        mesh=mesh,
        scratch_types=[
            pltpu.VMEM((NSEG_W, L), jnp.int32),
            pltpu.VMEM((FLUSH_ROWS, VOCAB), jnp.float32),
            pltpu.VMEM((L, VOCAB), jnp.float32),
            pltpu.VMEM((L, VOCAB), jnp.float32),
            pltpu.VMEM((L, VOCAB), jnp.float32),
            pltpu.VMEM((L, VOCAB), jnp.float32),
            pltpu.SemaphoreType.DMA,
            pltpu.SemaphoreType.DMA,
            pltpu.SemaphoreType.DMA,
            pltpu.SemaphoreType.DMA,
        ],
    )
    def k(gs_hbm, table_hbm, s_hbm, idx_v, out_v, b0, b1, b2, b3,
          s0, s1, s2, s3):
        bufs = (b0, b1, b2, b3)
        sems = (s0, s1, s2, s3)
        wid = lax.axis_index("s") * 2 + lax.axis_index("c")

        pltpu.sync_copy(gs_hbm.at[wid], idx_v)

        for b in range(NBUF):
            pltpu.async_copy(table_hbm.at[idx_v.at[b]], bufs[b], sems[b])

        def outer(i, carry):
            for b in range(NBUF):
                seg = i * NBUF + b
                pltpu.make_async_copy(
                    table_hbm.at[idx_v.at[seg]], bufs[b], sems[b]
                ).wait()
                accs = tuple(
                    bufs[b][0, pl.ds(c * 16, 16)] for c in range(NLC)
                )

                def body(r, accs, _b=b):
                    return tuple(
                        accs[c] + bufs[_b][r, pl.ds(c * 16, 16)]
                        for c in range(NLC)
                    )

                accs = lax.fori_loop(1, L, body, accs)
                row = seg % FLUSH_ROWS
                for c in range(NLC):
                    out_v[row, pl.ds(c * 16, 16)] = accs[c]

                @pl.when(seg + NBUF < NSEG_W)
                def _(b=b, seg=seg):
                    pltpu.async_copy(
                        table_hbm.at[idx_v.at[seg + NBUF]], bufs[b], sems[b]
                    )

            @pl.when(i % ITERS_PER_FLUSH == ITERS_PER_FLUSH - 1)
            def _():
                pltpu.sync_copy(
                    out_v, s_hbm.at[wid * FLUSHES_W + i // ITERS_PER_FLUSH]
                )

            return carry

        lax.fori_loop(0, NSEG_W // NBUF, outer, 0)

    return k(gs3, table)


def _sig(x):
    return 1.0 / (1.0 + jnp.exp(-x))


def _tc_head_body(s_ref, a_ref, u1_ref, u2_ref, og_ref, at_ref, ag_ref,
                  w_ref, b_ref, fm_ref, am_ref, fp_ref, ap_ref, v_ref):
    sg_og = _sig(og_ref[...])
    S = s_ref[...]
    feat = (S[:, 0, :] * sg_og[0:1, :]
            + S[:, 1, :] * sg_og[1:2, :]
            + S[:, 2, :] * sg_og[2:3, :])
    fprob = _sig(feat)
    fmsg = jnp.where(u1_ref[...] < fprob, 1.0, 0.0)

    sg_ag = _sig(ag_ref[...])
    rows = at_ref[...]
    acts = a_ref[...]
    act_emb = jnp.zeros_like(feat)
    for step in range(T):
        a = acts[:, step:step + 1]
        emb = jnp.zeros_like(feat)
        for v in range(4):
            emb = emb + jnp.where(a == v, 1.0, 0.0) * rows[v:v + 1, :]
        act_emb = act_emb + emb * sg_ag[step:step + 1, :]
    aprob = _sig(act_emb)
    amsg = jnp.where(u2_ref[...] < aprob, 1.0, 0.0)

    W = w_ref[...]
    val = (jnp.sum(feat * W[:, :VOCAB], axis=1, keepdims=True)
           + jnp.sum(act_emb * W[:, VOCAB:], axis=1, keepdims=True)
           + b_ref[0, 0])

    fm_ref[...] = fmsg
    am_ref[...] = amsg
    fp_ref[...] = fprob
    ap_ref[...] = aprob
    v_ref[...] = val


def _tc_head(S3, actions, u1, u2, og, at, ag, W, b2, *, interpret=False):
    BLK = 512
    grid = (B // BLK,)
    f32 = jnp.float32
    return pl.pallas_call(
        _tc_head_body,
        grid=grid,
        in_specs=[
            pl.BlockSpec((BLK, STEPS, VOCAB), lambda i: (i, 0, 0)),
            pl.BlockSpec((BLK, T), lambda i: (i, 0)),
            pl.BlockSpec((BLK, VOCAB), lambda i: (i, 0)),
            pl.BlockSpec((BLK, VOCAB), lambda i: (i, 0)),
            pl.BlockSpec((STEPS, VOCAB), lambda i: (0, 0)),
            pl.BlockSpec((4, VOCAB), lambda i: (0, 0)),
            pl.BlockSpec((T, VOCAB), lambda i: (0, 0)),
            pl.BlockSpec((1, 2 * VOCAB), lambda i: (0, 0)),
            pl.BlockSpec((1, 1), lambda i: (0, 0)),
        ],
        out_specs=[
            pl.BlockSpec((BLK, VOCAB), lambda i: (i, 0)),
            pl.BlockSpec((BLK, VOCAB), lambda i: (i, 0)),
            pl.BlockSpec((BLK, VOCAB), lambda i: (i, 0)),
            pl.BlockSpec((BLK, VOCAB), lambda i: (i, 0)),
            pl.BlockSpec((BLK, 1), lambda i: (i, 0)),
        ],
        out_shape=[
            jax.ShapeDtypeStruct((B, VOCAB), f32),
            jax.ShapeDtypeStruct((B, VOCAB), f32),
            jax.ShapeDtypeStruct((B, VOCAB), f32),
            jax.ShapeDtypeStruct((B, VOCAB), f32),
            jax.ShapeDtypeStruct((B, 1), f32),
        ],
        interpret=interpret,
    )(S3, actions, u1, u2, og, at, ag, W, b2)


def kernel(actions, goldstandard, goldstandard_table, obs_gates,
           action_table, act_gates, value_W, value_b):
    gs3 = goldstandard.reshape(NW, NSEG_W, L)
    S = _sc_gather_sum(gs3, goldstandard_table)
    S3 = S.reshape(B, STEPS, VOCAB)

    u1 = jax.random.uniform(jax.random.key(1), (B, VOCAB), jnp.float32)
    u2 = jax.random.uniform(jax.random.key(2), (B, VOCAB), jnp.float32)

    fm, am, fp, ap, val = _tc_head(
        S3, actions, u1, u2, obs_gates, action_table, act_gates,
        value_W, value_b.reshape(1, 1))
    return (fm, am, fp, ap, val)

# --- scband reference (transcript-rebuilt; emitter-appended) ---
"""Pipeline reference for scband-tourist-discrete-28527172780459 (READ-ONLY COPY).

The authoritative reference and input builder live on the scoring server;
editing this copy changes nothing except your own understanding.
"""

import jax, jax.numpy as jnp
import numpy as np

VOCAB_SZ = 128
NUM_OBS = 100000
T = 2
B = 4096
L = 50


def setup_inputs(seed: int = 0) -> dict:
    key = jax.random.key(seed)
    ks = jax.random.split(key, 8)
    actions = jax.random.randint(ks[0], (B, T), 0, 4, dtype=jnp.int32)
    goldstandard = jax.random.randint(ks[1], (B, T + 1, L), 0, NUM_OBS, dtype=jnp.int32)
    goldstandard_table = jax.random.normal(ks[2], (NUM_OBS, VOCAB_SZ), dtype=jnp.float32)
    obs_gates = 0.1 * jax.random.normal(ks[3], (T + 1, VOCAB_SZ), dtype=jnp.float32)
    action_table = jax.random.normal(ks[4], (4, VOCAB_SZ), dtype=jnp.float32)
    act_gates = 0.1 * jax.random.normal(ks[5], (T, VOCAB_SZ), dtype=jnp.float32)
    value_W = 0.01 * jax.random.normal(ks[6], (1, 2 * VOCAB_SZ), dtype=jnp.float32)
    value_b = jnp.zeros((1,), dtype=jnp.float32)
    return {
        "actions": actions,
        "goldstandard": goldstandard,
        "goldstandard_table": goldstandard_table,
        "obs_gates": obs_gates,
        "action_table": action_table,
        "act_gates": act_gates,
        "value_W": value_W,
        "value_b": value_b,
    }


def reference(actions, goldstandard, goldstandard_table, obs_gates, action_table, act_gates, value_W, value_b):
    # feature (observation) embeddings, one per step, gated and summed
    feat_embeddings = jnp.zeros((goldstandard.shape[0], VOCAB_SZ), dtype=jnp.float32)
    for step in range(T + 1):
        # gather: [B, L, vocab_sz] -> sum over L
        emb = jnp.take(goldstandard_table, goldstandard[:, step, :], axis=0).sum(axis=1)
        emb = emb * jax.nn.sigmoid(obs_gates[step][None, :])
        feat_embeddings = feat_embeddings + emb
    feat_prob = jax.nn.sigmoid(feat_embeddings)
    feat_msg = jax.random.bernoulli(jax.random.key(1), feat_prob).astype(jnp.float32)
    feat_msg = jax.lax.stop_gradient(feat_msg)

    # action embeddings (apply_masc=True)
    act_embeddings = jnp.zeros((actions.shape[0], VOCAB_SZ), dtype=jnp.float32)
    for step in range(T):
        emb = jnp.take(action_table, actions[:, step], axis=0)
        emb = emb * jax.nn.sigmoid(act_gates[step][None, :])
        act_embeddings = act_embeddings + emb
    act_prob = jax.nn.sigmoid(act_embeddings)
    act_msg = jax.random.bernoulli(jax.random.key(2), act_prob).astype(jnp.float32)
    act_msg = jax.lax.stop_gradient(act_msg)

    embeddings = jnp.concatenate([feat_embeddings, act_embeddings], axis=1)
    value = embeddings @ value_W.T + value_b
    return (feat_msg, act_msg, feat_prob, act_prob, value)

if __name__ == "__main__":
    import jax
    _d = setup_inputs()
    print(jax.jit(kernel)(*tuple(_d.values())))

</pallas_src>

<mosaic_0001>
#map = affine_map<(d0, d1) -> (0, 0, 0)>
#map1 = affine_map<(d0, d1) -> (0, 0)>
module attributes {stable_mosaic.version = 14 : i64} {
  func.func @k(%arg0: i32, %arg1: i32, %arg2: memref<32x384x50xi32, #tpu.memory_space<hbm>>, %arg3: memref<100000x128xf32, #tpu.memory_space<hbm>>, %arg4: memref<256x48x128xf32, #tpu.memory_space<hbm>>, %arg5: memref<384x50xi32, #tpu.memory_space<vmem>>, %arg6: memref<48x128xf32, #tpu.memory_space<vmem>>, %arg7: memref<50x128xf32, #tpu.memory_space<vmem>>, %arg8: memref<50x128xf32, #tpu.memory_space<vmem>>, %arg9: memref<50x128xf32, #tpu.memory_space<vmem>>, %arg10: memref<50x128xf32, #tpu.memory_space<vmem>>, %arg11: memref<!tpu.dma_semaphore, #tpu.memory_space<semaphore_mem>>, %arg12: memref<!tpu.dma_semaphore, #tpu.memory_space<semaphore_mem>>, %arg13: memref<!tpu.dma_semaphore, #tpu.memory_space<semaphore_mem>>, %arg14: memref<!tpu.dma_semaphore, #tpu.memory_space<semaphore_mem>>) attributes {dimension_semantics = [#tpu.dimension_semantics<core_parallel>, #tpu.dimension_semantics<subcore_parallel>], iteration_bounds = array<i64: 2, 16>, scalar_prefetch = 0 : i64, scratch_operands = 10 : i64, tpu.core_type = #tpu.core_type<sc_vector_subcore>, window_params = [{transform_indices = #map}, {transform_indices = #map1}, {transform_indices = #map}]} {
    %mul3A = arith.constant 2 : i32
    %mul3A_0 = arith.muli %arg1, %mul3A : i32
    %add3A = arith.addi %mul3A_0, %arg0 : i32
    "tpu.region"() ({
      %run_scoped3A = tpu.sem_alloc : memref<!tpu.dma_semaphore, #tpu.memory_space<semaphore_mem>>
      %dma_start3A_33 = arith.constant 0 : i32
      %dma_start3A_34 = arith.constant 0 : i32
      %dma_start3A_35 = tpu.memref_slice %arg2[%add3A, %dma_start3A_33, %dma_start3A_34] : memref<32x384x50xi32, #tpu.memory_space<hbm>> -> memref<1x384x50xi32, #tpu.memory_space<hbm>>
      %dma_start3A_36 = tpu.memref_squeeze %dma_start3A_35 : memref<1x384x50xi32, #tpu.memory_space<hbm>> -> memref<384x50xi32, #tpu.memory_space<hbm>>
      %dma_start3A_37 = arith.constant 0 : i32
      %dma_start3A_38 = arith.constant 0 : i32
      %dma_start3A_39 = tpu.memref_slice %arg2[%add3A, %dma_start3A_37, %dma_start3A_38] : memref<32x384x50xi32, #tpu.memory_space<hbm>> -> memref<1x384x50xi32, #tpu.memory_space<hbm>>
      %dma_start3A_40 = tpu.memref_squeeze %dma_start3A_39 : memref<1x384x50xi32, #tpu.memory_space<hbm>> -> memref<384x50xi32, #tpu.memory_space<hbm>>
      tpu.enqueue_dma source(%dma_start3A_40 : memref<384x50xi32, #tpu.memory_space<hbm>>) target(%arg5 : memref<384x50xi32, #tpu.memory_space<vmem>>) target_semaphore(%run_scoped3A : memref<!tpu.dma_semaphore, #tpu.memory_space<semaphore_mem>>)
      %dma_wait3A = arith.constant 0 : i32
      %dma_wait3A_41 = arith.constant 0 : i32
      %dma_wait3A_42 = tpu.memref_slice %arg2[%add3A, %dma_wait3A, %dma_wait3A_41] : memref<32x384x50xi32, #tpu.memory_space<hbm>> -> memref<1x384x50xi32, #tpu.memory_space<hbm>>
      %dma_wait3A_43 = tpu.memref_squeeze %dma_wait3A_42 : memref<1x384x50xi32, #tpu.memory_space<hbm>> -> memref<384x50xi32, #tpu.memory_space<hbm>>
      %dma_wait3A_44 = arith.constant 0 : i32
      %dma_wait3A_45 = arith.constant 0 : i32
      %dma_wait3A_46 = tpu.memref_slice %arg2[%add3A, %dma_wait3A_44, %dma_wait3A_45] : memref<32x384x50xi32, #tpu.memory_space<hbm>> -> memref<1x384x50xi32, #tpu.memory_space<hbm>>
      %dma_wait3A_47 = tpu.memref_squeeze %dma_wait3A_46 : memref<1x384x50xi32, #tpu.memory_space<hbm>> -> memref<384x50xi32, #tpu.memory_space<hbm>>
      tpu.wait_dma2 semaphore(%run_scoped3A : memref<!tpu.dma_semaphore, #tpu.memory_space<semaphore_mem>>) src(%dma_wait3A_47 : memref<384x50xi32, #tpu.memory_space<hbm>>) dst(%arg5 : memref<384x50xi32, #tpu.memory_space<vmem>>)
      tpu.yield
    }) : () -> ()
    %dma_start3A = arith.constant 0 : i32
    %dma_start3A_1 = arith.constant 0 : i32
    %dma_start3A_2 = tpu.memref_slice %arg5[%dma_start3A, %dma_start3A_1] : memref<384x50xi32, #tpu.memory_space<vmem>> -> memref<1x50xi32, #tpu.memory_space<vmem>>
    %dma_start3A_3 = tpu.memref_squeeze %dma_start3A_2 : memref<1x50xi32, #tpu.memory_space<vmem>> -> memref<50xi32, #tpu.memory_space<vmem>>
    %dma_start3A_4 = arith.constant 0 : i32
    %dma_start3A_5 = arith.constant 0 : i32
    %dma_start3A_6 = tpu.memref_slice %arg3[%dma_start3A_4, %dma_start3A_5] : memref<100000x128xf32, #tpu.memory_space<hbm>> -> memref<100000x128xf32, #tpu.memory_space<hbm>>
    tpu.enqueue_indirect_dma source(%dma_start3A_6 : memref<100000x128xf32, #tpu.memory_space<hbm>>) target(%arg7 : memref<50x128xf32, #tpu.memory_space<vmem>>) offsets(%dma_start3A_3 : memref<50xi32, #tpu.memory_space<vmem>>) semaphore(%arg11 : memref<!tpu.dma_semaphore, #tpu.memory_space<semaphore_mem>>)
    %dma_start3A_7 = arith.constant 1 : i32
    %dma_start3A_8 = arith.constant 0 : i32
    %dma_start3A_9 = tpu.memref_slice %arg5[%dma_start3A_7, %dma_start3A_8] : memref<384x50xi32, #tpu.memory_space<vmem>> -> memref<1x50xi32, #tpu.memory_space<vmem>>
    %dma_start3A_10 = tpu.memref_squeeze %dma_start3A_9 : memref<1x50xi32, #tpu.memory_space<vmem>> -> memref<50xi32, #tpu.memory_space<vmem>>
    %dma_start3A_11 = arith.constant 0 : i32
    %dma_start3A_12 = arith.constant 0 : i32
    %dma_start3A_13 = tpu.memref_slice %arg3[%dma_start3A_11, %dma_start3A_12] : memref<100000x128xf32, #tpu.memory_space<hbm>> -> memref<100000x128xf32, #tpu.memory_space<hbm>>
    tpu.enqueue_indirect_dma source(%dma_start3A_13 : memref<100000x128xf32, #tpu.memory_space<hbm>>) target(%arg8 : memref<50x128xf32, #tpu.memory_space<vmem>>) offsets(%dma_start3A_10 : memref<50xi32, #tpu.memory_space<vmem>>) semaphore(%arg12 : memref<!tpu.dma_semaphore, #tpu.memory_space<semaphore_mem>>)
    %dma_start3A_14 = arith.constant 2 : i32
    %dma_start3A_15 = arith.constant 0 : i32
    %dma_start3A_16 = tpu.memref_slice %arg5[%dma_start3A_14, %dma_start3A_15] : memref<384x50xi32, #tpu.memory_space<vmem>> -> memref<1x50xi32, #tpu.memory_space<vmem>>
    %dma_start3A_17 = tpu.memref_squeeze %dma_start3A_16 : memref<1x50xi32, #tpu.memory_space<vmem>> -> memref<50xi32, #tpu.memory_space<vmem>>
    %dma_start3A_18 = arith.constant 0 : i32
    %dma_start3A_19 = arith.constant 0 : i32
    %dma_start3A_20 = tpu.memref_slice %arg3[%dma_start3A_18, %dma_start3A_19] : memref<100000x128xf32, #tpu.memory_space<hbm>> -> memref<100000x128xf32, #tpu.memory_space<hbm>>
    tpu.enqueue_indirect_dma source(%dma_start3A_20 : memref<100000x128xf32, #tpu.memory_space<hbm>>) target(%arg9 : memref<50x128xf32, #tpu.memory_space<vmem>>) offsets(%dma_start3A_17 : memref<50xi32, #tpu.memory_space<vmem>>) semaphore(%arg13 : memref<!tpu.dma_semaphore, #tpu.memory_space<semaphore_mem>>)
    %dma_start3A_21 = arith.constant 3 : i32
    %dma_start3A_22 = arith.constant 0 : i32
    %dma_start3A_23 = tpu.memref_slice %arg5[%dma_start3A_21, %dma_start3A_22] : memref<384x50xi32, #tpu.memory_space<vmem>> -> memref<1x50xi32, #tpu.memory_space<vmem>>
    %dma_start3A_24 = tpu.memref_squeeze %dma_start3A_23 : memref<1x50xi32, #tpu.memory_space<vmem>> -> memref<50xi32, #tpu.memory_space<vmem>>
    %dma_start3A_25 = arith.constant 0 : i32
    %dma_start3A_26 = arith.constant 0 : i32
    %dma_start3A_27 = tpu.memref_slice %arg3[%dma_start3A_25, %dma_start3A_26] : memref<100000x128xf32, #tpu.memory_space<hbm>> -> memref<100000x128xf32, #tpu.memory_space<hbm>>
    tpu.enqueue_indirect_dma source(%dma_start3A_27 : memref<100000x128xf32, #tpu.memory_space<hbm>>) target(%arg10 : memref<50x128xf32, #tpu.memory_space<vmem>>) offsets(%dma_start3A_24 : memref<50xi32, #tpu.memory_space<vmem>>) semaphore(%arg14 : memref<!tpu.dma_semaphore, #tpu.memory_space<semaphore_mem>>)
    %scan3A = arith.constant 0 : i32
    %scan3A_28 = arith.constant 0 : i32
    %scan3A_29 = arith.constant 96 : i32
    %scan3A_30 = arith.addi %scan3A_28, %scan3A_29 : i32
    %scan3A_31 = arith.constant 1 : i32
    scf.for %scan3A_33 = %scan3A_28 to %scan3A_30 step %scan3A_31  : i32 {
      %mul3A_34 = arith.constant 4 : i32
      %mul3A_35 = arith.muli %scan3A_33, %mul3A_34 : i32
      %add3A_36 = arith.constant 0 : i32
      %add3A_37 = arith.addi %mul3A_35, %add3A_36 : i32
      %dma_wait3A = arith.constant 0 : i32
      %dma_wait3A_38 = tpu.memref_slice %arg5[%add3A_37, %dma_wait3A] : memref<384x50xi32, #tpu.memory_space<vmem>> -> memref<1x50xi32, #tpu.memory_space<vmem>>
      %dma_wait3A_39 = tpu.memref_squeeze %dma_wait3A_38 : memref<1x50xi32, #tpu.memory_space<vmem>> -> memref<50xi32, #tpu.memory_space<vmem>>
      %dma_wait3A_40 = arith.constant 0 : i32
      %dma_wait3A_41 = arith.constant 0 : i32
      %dma_wait3A_42 = tpu.memref_slice %arg3[%dma_wait3A_40, %dma_wait3A_41] : memref<100000x128xf32, #tpu.memory_space<hbm>> -> memref<100000x128xf32, #tpu.memory_space<hbm>>
      tpu.wait_indirect_dma semaphore(%arg11 : memref<!tpu.dma_semaphore, #tpu.memory_space<semaphore_mem>>) src(%dma_wait3A_42 : memref<100000x128xf32, #tpu.memory_space<hbm>>) dst(%arg7 : memref<50x128xf32, #tpu.memory_space<vmem>>)
      %get3A = arith.constant 0 : i32
      %get3A_43 = arith.index_cast %get3A : i32 to index
      %get3A_44 = arith.constant 0 : index
      %get3A_45 = tpu.vector_load %arg7[%get3A_43, %get3A_44] {strides = array<i32>} : memref<50x128xf32, #tpu.memory_space<vmem>>, vector<1x16xf32>,
      %get3A_46 = vector.shape_cast %get3A_45 : vector<1x16xf32> to vector<16xf32>
      %get3A_47 = arith.constant 0 : i32
      %get3A_48 = arith.index_cast %get3A_47 : i32 to index
      %get3A_49 = arith.constant 16 : index
      %get3A_50 = tpu.vector_load %arg7[%get3A_48, %get3A_49] {strides = array<i32>} : memref<50x128xf32, #tpu.memory_space<vmem>>, vector<1x16xf32>,
      %get3A_51 = vector.shape_cast %get3A_50 : vector<1x16xf32> to vector<16xf32>
      %get3A_52 = arith.constant 0 : i32
      %get3A_53 = arith.index_cast %get3A_52 : i32 to index
      %get3A_54 = arith.constant 32 : index
      %get3A_55 = tpu.vector_load %arg7[%get3A_53, %get3A_54] {strides = array<i32>} : memref<50x128xf32, #tpu.memory_space<vmem>>, vector<1x16xf32>,
      %get3A_56 = vector.shape_cast %get3A_55 : vector<1x16xf32> to vector<16xf32>
      %get3A_57 = arith.constant 0 : i32
      %get3A_58 = arith.index_cast %get3A_57 : i32 to index
      %get3A_59 = arith.constant 48 : index
      %get3A_60 = tpu.vector_load %arg7[%get3A_58, %get3A_59] {strides = array<i32>} : memref<50x128xf32, #tpu.memory_space<vmem>>, vector<1x16xf32>,
      %get3A_61 = vector.shape_cast %get3A_60 : vector<1x16xf32> to vector<16xf32>
      %get3A_62 = arith.constant 0 : i32
      %get3A_63 = arith.index_cast %get3A_62 : i32 to index
      %get3A_64 = arith.constant 64 : index
      %get3A_65 = tpu.vector_load %arg7[%get3A_63, %get3A_64] {strides = array<i32>} : memref<50x128xf32, #tpu.memory_space<vmem>>, vector<1x16xf32>,
      %get3A_66 = vector.shape_cast %get3A_65 : vector<1x16xf32> to vector<16xf32>
      %get3A_67 = arith.constant 0 : i32
      %get3A_68 = arith.index_cast %get3A_67 : i32 to index
      %get3A_69 = arith.constant 80 : index
      %get3A_70 = tpu.vector_load %arg7[%get3A_68, %get3A_69] {strides = array<i32>} : memref<50x128xf32, #tpu.memory_space<vmem>>, vector<1x16xf32>,
      %get3A_71 = vector.shape_cast %get3A_70 : vector<1x16xf32> to vector<16xf32>
      %get3A_72 = arith.constant 0 : i32
      %get3A_73 = arith.index_cast %get3A_72 : i32 to index
      %get3A_74 = arith.constant 96 : index
      %get3A_75 = tpu.vector_load %arg7[%get3A_73, %get3A_74] {strides = array<i32>} : memref<50x128xf32, #tpu.memory_space<vmem>>, vector<1x16xf32>,
      %get3A_76 = vector.shape_cast %get3A_75 : vector<1x16xf32> to vector<16xf32>
      %get3A_77 = arith.constant 0 : i32
      %get3A_78 = arith.index_cast %get3A_77 : i32 to index
      %get3A_79 = arith.constant 112 : index
      %get3A_80 = tpu.vector_load %arg7[%get3A_78, %get3A_79] {strides = array<i32>} : memref<50x128xf32, #tpu.memory_space<vmem>>, vector<1x16xf32>,
      %get3A_81 = vector.shape_cast %get3A_80 : vector<1x16xf32> to vector<16xf32>
      %scan3A_82 = arith.constant 1 : i32
      %scan3A_83 = arith.constant 49 : i32
      %scan3A_84 = arith.addi %scan3A_82, %scan3A_83 : i32
      %scan3A_85 = arith.constant 1 : i32
      %scan3A_86:8 = scf.for %scan3A_519 = %scan3A_82 to %scan3A_84 step %scan3A_85 iter_args(%scan3A_520 = %get3A_46, %scan3A_521 = %get3A_51, %scan3A_522 = %get3A_56, %scan3A_523 = %get3A_61, %scan3A_524 = %get3A_66, %scan3A_525 = %get3A_71, %scan3A_526 = %get3A_76, %scan3A_527 = %get3A_81) -> (vector<16xf32>, vector<16xf32>, vector<16xf32>, vector<16xf32>, vector<16xf32>, vector<16xf32>, vector<16xf32>, vector<16xf32>)  : i32 {
        %get3A_528 = arith.index_cast %scan3A_519 : i32 to index
        %get3A_529 = arith.constant 0 : index
        %get3A_530 = tpu.vector_load %arg7[%get3A_528, %get3A_529] {strides = array<i32>} : memref<50x128xf32, #tpu.memory_space<vmem>>, vector<1x16xf32>,
        %get3A_531 = vector.shape_cast %get3A_530 : vector<1x16xf32> to vector<16xf32>
        %add3A_532 = arith.addf %scan3A_520, %get3A_531 : vector<16xf32>
        %get3A_533 = arith.index_cast %scan3A_519 : i32 to index
        %get3A_534 = arith.constant 16 : index
        %get3A_535 = tpu.vector_load %arg7[%get3A_533, %get3A_534] {strides = array<i32>} : memref<50x128xf32, #tpu.memory_space<vmem>>, vector<1x16xf32>,
        %get3A_536 = vector.shape_cast %get3A_535 : vector<1x16xf32> to vector<16xf32>
        %add3A_537 = arith.addf %scan3A_521, %get3A_536 : vector<16xf32>
        %get3A_538 = arith.index_cast %scan3A_519 : i32 to index
        %get3A_539 = arith.constant 32 : index
        %get3A_540 = tpu.vector_load %arg7[%get3A_538, %get3A_539] {strides = array<i32>} : memref<50x128xf32, #tpu.memory_space<vmem>>, vector<1x16xf32>,
        %get3A_541 = vector.shape_cast %get3A_540 : vector<1x16xf32> to vector<16xf32>
        %add3A_542 = arith.addf %scan3A_522, %get3A_541 : vector<16xf32>
        %get3A_543 = arith.index_cast %scan3A_519 : i32 to index
        %get3A_544 = arith.constant 48 : index
        %get3A_545 = tpu.vector_load %arg7[%get3A_543, %get3A_544] {strides = array<i32>} : memref<50x128xf32, #tpu.memory_space<vmem>>, vector<1x16xf32>,
        %get3A_546 = vector.shape_cast %get3A_545 : vector<1x16xf32> to vector<16xf32>
        %add3A_547 = arith.addf %scan3A_523, %get3A_546 : vector<16xf32>
        %get3A_548 = arith.index_cast %scan3A_519 : i32 to index
        %get3A_549 = arith.constant 64 : index
        %get3A_550 = tpu.vector_load %arg7[%get3A_548, %get3A_549] {strides = array<i32>} : memref<50x128xf32, #tpu.memory_space<vmem>>, vector<1x16xf32>,
        %get3A_551 = vector.shape_cast %get3A_550 : vector<1x16xf32> to vector<16xf32>
        %add3A_552 = arith.addf %scan3A_524, %get3A_551 : vector<16xf32>
        %get3A_553 = arith.index_cast %scan3A_519 : i32 to index
        %get3A_554 = arith.constant 80 : index
        %get3A_555 = tpu.vector_load %arg7[%get3A_553, %get3A_554] {strides = array<i32>} : memref<50x128xf32, #tpu.memory_space<vmem>>, vector<1x16xf32>,
        %get3A_556 = vector.shape_cast %get3A_555 : vector<1x16xf32> to vector<16xf32>
        %add3A_557 = arith.addf %scan3A_525, %get3A_556 : vector<16xf32>
        %get3A_558 = arith.index_cast %scan3A_519 : i32 to index
        %get3A_559 = arith.constant 96 : index
        %get3A_560 = tpu.vector_load %arg7[%get3A_558, %get3A_559] {strides = array<i32>} : memref<50x128xf32, #tpu.memory_space<vmem>>, vector<1x16xf32>,
        %get3A_561 = vector.shape_cast %get3A_560 : vector<1x16xf32> to vector<16xf32>
        %add3A_562 = arith.addf %scan3A_526, %get3A_561 : vector<16xf32>
        %get3A_563 = arith.index_cast %scan3A_519 : i32 to index
        %get3A_564 = arith.constant 112 : index
        %get3A_565 = tpu.vector_load %arg7[%get3A_563, %get3A_564] {strides = array<i32>} : memref<50x128xf32, #tpu.memory_space<vmem>>, vector<1x16xf32>,
        %get3A_566 = vector.shape_cast %get3A_565 : vector<1x16xf32> to vector<16xf32>
        %add3A_567 = arith.addf %scan3A_527, %get3A_566 : vector<16xf32>
        scf.yield %add3A_532, %add3A_537, %add3A_542, %add3A_547, %add3A_552, %add3A_557, %add3A_562, %add3A_567 : vector<16xf32>, vector<16xf32>, vector<16xf32>, vector<16xf32>, vector<16xf32>, vector<16xf32>, vector<16xf32>, vector<16xf32>
      }
      %scan3A_87 = arith.constant 49 : i32
      %jit3A = arith.constant 48 : i32
      %eq3A = arith.constant 0 : i32
      %eq3A_88 = arith.cmpi eq, %jit3A, %eq3A : i32
      %jit3A_89 = arith.constant 1 : i32
      %select_n3A = arith.select %eq3A_88, %jit3A_89, %jit3A : i32
      %rem3A = arith.remsi %add3A_37, %select_n3A : i32
      %ne3A = arith.constant 0 : i32
      %ne3A_90 = arith.cmpi ne, %rem3A, %ne3A : i32
      %lt3A = arith.constant 0 : i32
      %lt3A_91 = arith.cmpi slt, %rem3A, %lt3A : i32
      %lt3A_92 = arith.constant 0 : i32
      %lt3A_93 = arith.cmpi slt, %select_n3A, %lt3A_92 : i32
      %ne3A_94 = arith.xori %lt3A_91, %lt3A_93 : i1
      %and3A = arith.andi %ne3A_94, %ne3A_90 : i1
      %add3A_95 = arith.addi %rem3A, %select_n3A : i32
      %select_n3A_96 = arith.select %and3A, %add3A_95, %rem3A : i32
      %swap3A = arith.index_cast %select_n3A_96 : i32 to index
      %swap3A_97 = arith.constant 0 : index
      %swap3A_98 = tpu.vector_load %arg6[%swap3A, %swap3A_97] {strides = array<i32>} : memref<48x128xf32, #tpu.memory_space<vmem>>, vector<1x16xf32>,
      %swap3A_99 = vector.shape_cast %swap3A_98 : vector<1x16xf32> to vector<16xf32>
      %swap3A_100 = vector.shape_cast %scan3A_86#0 : vector<16xf32> to vector<1x16xf32>
      tpu.vector_store %arg6[%swap3A, %swap3A_97], %swap3A_100 {strides = array<i32>} : memref<48x128xf32, #tpu.memory_space<vmem>>, vector<1x16xf32>,
      %swap3A_101 = arith.index_cast %select_n3A_96 : i32 to index
      %swap3A_102 = arith.constant 16 : index
      %swap3A_103 = tpu.vector_load %arg6[%swap3A_101, %swap3A_102] {strides = array<i32>} : memref<48x128xf32, #tpu.memory_space<vmem>>, vector<1x16xf32>,
      %swap3A_104 = vector.shape_cast %swap3A_103 : vector<1x16xf32> to vector<16xf32>
      %swap3A_105 = vector.shape_cast %scan3A_86#1 : vector<16xf32> to vector<1x16xf32>
      tpu.vector_store %arg6[%swap3A_101, %swap3A_102], %swap3A_105 {strides = array<i32>} : memref<48x128xf32, #tpu.memory_space<vmem>>, vector<1x16xf32>,
      %swap3A_106 = arith.index_cast %select_n3A_96 : i32 to index
      %swap3A_107 = arith.constant 32 : index
      %swap3A_108 = tpu.vector_load %arg6[%swap3A_106, %swap3A_107] {strides = array<i32>} : memref<48x128xf32, #tpu.memory_space<vmem>>, vector<1x16xf32>,
      %swap3A_109 = vector.shape_cast %swap3A_108 : vector<1x16xf32> to vector<16xf32>
      %swap3A_110 = vector.shape_cast %scan3A_86#2 : vector<16xf32> to vector<1x16xf32>
      tpu.vector_store %arg6[%swap3A_106, %swap3A_107], %swap3A_110 {strides = array<i32>} : memref<48x128xf32, #tpu.memory_space<vmem>>, vector<1x16xf32>,
      %swap3A_111 = arith.index_cast %select_n3A_96 : i32 to index
      %swap3A_112 = arith.constant 48 : index
      %swap3A_113 = tpu.vector_load %arg6[%swap3A_111, %swap3A_112] {strides = array<i32>} : memref<48x128xf32, #tpu.memory_space<vmem>>, vector<1x16xf32>,
      %swap3A_114 = vector.shape_cast %swap3A_113 : vector<1x16xf32> to vector<16xf32>
      %swap3A_115 = vector.shape_cast %scan3A_86#3 : vector<16xf32> to vector<1x16xf32>
      tpu.vector_store %arg6[%swap3A_111, %swap3A_112], %swap3A_115 {strides = array<i32>} : memref<48x128xf32, #tpu.memory_space<vmem>>, vector<1x16xf32>,
      %swap3A_116 = arith.index_cast %select_n3A_96 : i32 to index
      %swap3A_117 = arith.constant 64 : index
      %swap3A_118 = tpu.vector_load %arg6[%swap3A_116, %swap3A_117] {strides = array<i32>} : memref<48x128xf32, #tpu.memory_space<vmem>>, vector<1x16xf32>,
      %swap3A_119 = vector.shape_cast %swap3A_118 : vector<1x16xf32> to vector<16xf32>
      %swap3A_120 = vector.shape_cast %scan3A_86#4 : vector<16xf32> to vector<1x16xf32>
      tpu.vector_store %arg6[%swap3A_116, %swap3A_117], %swap3A_120 {strides = array<i32>} : memref<48x128xf32, #tpu.memory_space<vmem>>, vector<1x16xf32>,
      %swap3A_121 = arith.index_cast %select_n3A_96 : i32 to index
      %swap3A_122 = arith.constant 80 : index
      %swap3A_123 = tpu.vector_load %arg6[%swap3A_121, %swap3A_122] {strides = array<i32>} : memref<48x128xf32, #tpu.memory_space<vmem>>, vector<1x16xf32>,
      %swap3A_124 = vector.shape_cast %swap3A_123 : vector<1x16xf32> to vector<16xf32>
      %swap3A_125 = vector.shape_cast %scan3A_86#5 : vector<16xf32> to vector<1x16xf32>
      tpu.vector_store %arg6[%swap3A_121, %swap3A_122], %swap3A_125 {strides = array<i32>} : memref<48x128xf32, #tpu.memory_space<vmem>>, vector<1x16xf32>,
      %swap3A_126 = arith.index_cast %select_n3A_96 : i32 to index
      %swap3A_127 = arith.constant 96 : index
      %swap3A_128 = tpu.vector_load %arg6[%swap3A_126, %swap3A_127] {strides = array<i32>} : memref<48x128xf32, #tpu.memory_space<vmem>>, vector<1x16xf32>,
      %swap3A_129 = vector.shape_cast %swap3A_128 : vector<1x16xf32> to vector<16xf32>
      %swap3A_130 = vector.shape_cast %scan3A_86#6 : vector<16xf32> to vector<1x16xf32>
      tpu.vector_store %arg6[%swap3A_126, %swap3A_127], %swap3A_130 {strides = array<i32>} : memref<48x128xf32, #tpu.memory_space<vmem>>, vector<1x16xf32>,
      %swap3A_131 = arith.index_cast %select_n3A_96 : i32 to index
      %swap3A_132 = arith.constant 112 : index
      %swap3A_133 = tpu.vector_load %arg6[%swap3A_131, %swap3A_132] {strides = array<i32>} : memref<48x128xf32, #tpu.memory_space<vmem>>, vector<1x16xf32>,
      %swap3A_134 = vector.shape_cast %swap3A_133 : vector<1x16xf32> to vector<16xf32>
      %swap3A_135 = vector.shape_cast %scan3A_86#7 : vector<16xf32> to vector<1x16xf32>
      tpu.vector_store %arg6[%swap3A_131, %swap3A_132], %swap3A_135 {strides = array<i32>} : memref<48x128xf32, #tpu.memory_space<vmem>>, vector<1x16xf32>,
      %add3A_136 = arith.constant 4 : i32
      %add3A_137 = arith.addi %add3A_37, %add3A_136 : i32
      %lt3A_138 = arith.constant 384 : i32
      %lt3A_139 = arith.cmpi slt, %add3A_137, %lt3A_138 : i32
      %convert_element_type3A = arith.extui %lt3A_139 : i1 to i32
      %cond3A = arith.constant 0 : i32
      %cond3A_140 = arith.cmpi ne, %convert_element_type3A, %cond3A : i32
      scf.if %cond3A_140 {
        %add3A_519 = arith.constant 4 : i32
        %add3A_520 = arith.addi %add3A_37, %add3A_519 : i32
        %dma_start3A_521 = arith.constant 0 : i32
        %dma_start3A_522 = tpu.memref_slice %arg5[%add3A_520, %dma_start3A_521] : memref<384x50xi32, #tpu.memory_space<vmem>> -> memref<1x50xi32, #tpu.memory_space<vmem>>
        %dma_start3A_523 = tpu.memref_squeeze %dma_start3A_522 : memref<1x50xi32, #tpu.memory_space<vmem>> -> memref<50xi32, #tpu.memory_space<vmem>>
        %dma_start3A_524 = arith.constant 0 : i32
        %dma_start3A_525 = arith.constant 0 : i32
        %dma_start3A_526 = tpu.memref_slice %arg3[%dma_start3A_524, %dma_start3A_525] : memref<100000x128xf32, #tpu.memory_space<hbm>> -> memref<100000x128xf32, #tpu.memory_space<hbm>>
        tpu.enqueue_indirect_dma source(%dma_start3A_526 : memref<100000x128xf32, #tpu.memory_space<hbm>>) target(%arg7 : memref<50x128xf32, #tpu.memory_space<vmem>>) offsets(%dma_start3A_523 : memref<50xi32, #tpu.memory_space<vmem>>) semaphore(%arg11 : memref<!tpu.dma_semaphore, #tpu.memory_space<semaphore_mem>>)
      } else {
      }
      %mul3A_141 = arith.constant 4 : i32
      %mul3A_142 = arith.muli %scan3A_33, %mul3A_141 : i32
      %add3A_143 = arith.constant 1 : i32
      %add3A_144 = arith.addi %mul3A_142, %add3A_143 : i32
      %dma_wait3A_145 = arith.constant 0 : i32
      %dma_wait3A_146 = tpu.memref_slice %arg5[%add3A_144, %dma_wait3A_145] : memref<384x50xi32, #tpu.memory_space<vmem>> -> memref<1x50xi32, #tpu.memory_space<vmem>>
      %dma_wait3A_147 = tpu.memref_squeeze %dma_wait3A_146 : memref<1x50xi32, #tpu.memory_space<vmem>> -> memref<50xi32, #tpu.memory_space<vmem>>
      %dma_wait3A_148 = arith.constant 0 : i32
      %dma_wait3A_149 = arith.constant 0 : i32
      %dma_wait3A_150 = tpu.memref_slice %arg3[%dma_wait3A_148, %dma_wait3A_149] : memref<100000x128xf32, #tpu.memory_space<hbm>> -> memref<100000x128xf32, #tpu.memory_space<hbm>>
      tpu.wait_indirect_dma semaphore(%arg12 : memref<!tpu.dma_semaphore, #tpu.memory_space<semaphore_mem>>) src(%dma_wait3A_150 : memref<100000x128xf32, #tpu.memory_space<hbm>>) dst(%arg8 : memref<50x128xf32, #tpu.memory_space<vmem>>)
      %get3A_151 = arith.constant 0 : i32
      %get3A_152 = arith.index_cast %get3A_151 : i32 to index
      %get3A_153 = arith.constant 0 : index
      %get3A_154 = tpu.vector_load %arg8[%get3A_152, %get3A_153] {strides = array<i32>} : memref<50x128xf32, #tpu.memory_space<vmem>>, vector<1x16xf32>,
      %get3A_155 = vector.shape_cast %get3A_154 : vector<1x16xf32> to vector<16xf32>
      %get3A_156 = arith.constant 0 : i32
      %get3A_157 = arith.index_cast %get3A_156 : i32 to index
      %get3A_158 = arith.constant 16 : index
      %get3A_159 = tpu.vector_load %arg8[%get3A_157, %get3A_158] {strides = array<i32>} : memref<50x128xf32, #tpu.memory_space<vmem>>, vector<1x16xf32>,
      %get3A_160 = vector.shape_cast %get3A_159 : vector<1x16xf32> to vector<16xf32>
      %get3A_161 = arith.constant 0 : i32
      %get3A_162 = arith.index_cast %get3A_161 : i32 to index
      %get3A_163 = arith.constant 32 : index
      %get3A_164 = tpu.vector_load %arg8[%get3A_162, %get3A_163] {strides = array<i32>} : memref<50x128xf32, #tpu.memory_space<vmem>>, vector<1x16xf32>,
      %get3A_165 = vector.shape_cast %get3A_164 : vector<1x16xf32> to vector<16xf32>
      %get3A_166 = arith.constant 0 : i32
      %get3A_167 = arith.index_cast %get3A_166 : i32 to index
      %get3A_168 = arith.constant 48 : index
      %get3A_169 = tpu.vector_load %arg8[%get3A_167, %get3A_168] {strides = array<i32>} : memref<50x128xf32, #tpu.memory_space<vmem>>, vector<1x16xf32>,
      %get3A_170 = vector.shape_cast %get3A_169 : vector<1x16xf32> to vector<16xf32>
      %get3A_171 = arith.constant 0 : i32
      %get3A_172 = arith.index_cast %get3A_171 : i32 to index
      %get3A_173 = arith.constant 64 : index
      %get3A_174 = tpu.vector_load %arg8[%get3A_172, %get3A_173] {strides = array<i32>} : memref<50x128xf32, #tpu.memory_space<vmem>>, vector<1x16xf32>,
      %get3A_175 = vector.shape_cast %get3A_174 : vector<1x16xf32> to vector<16xf32>
      %get3A_176 = arith.constant 0 : i32
      %get3A_177 = arith.index_cast %get3A_176 : i32 to index
      %get3A_178 = arith.constant 80 : index
      %get3A_179 = tpu.vector_load %arg8[%get3A_177, %get3A_178] {strides = array<i32>} : memref<50x128xf32, #tpu.memory_space<vmem>>, vector<1x16xf32>,
      %get3A_180 = vector.shape_cast %get3A_179 : vector<1x16xf32> to vector<16xf32>
      %get3A_181 = arith.constant 0 : i32
      %get3A_182 = arith.index_cast %get3A_181 : i32 to index
      %get3A_183 = arith.constant 96 : index
      %get3A_184 = tpu.vector_load %arg8[%get3A_182, %get3A_183] {strides = array<i32>} : memref<50x128xf32, #tpu.memory_space<vmem>>, vector<1x16xf32>,
      %get3A_185 = vector.shape_cast %get3A_184 : vector<1x16xf32> to vector<16xf32>
      %get3A_186 = arith.constant 0 : i32
      %get3A_187 = arith.index_cast %get3A_186 : i32 to index
      %get3A_188 = arith.constant 112 : index
      %get3A_189 = tpu.vector_load %arg8[%get3A_187, %get3A_188] {strides = array<i32>} : memref<50x128xf32, #tpu.memory_space<vmem>>, vector<1x16xf32>,
      %get3A_190 = vector.shape_cast %get3A_189 : vector<1x16xf32> to vector<16xf32>
      %scan3A_191 = arith.constant 1 : i32
      %scan3A_192 = arith.constant 49 : i32
      %scan3A_193 = arith.addi %scan3A_191, %scan3A_192 : i32
      %scan3A_194 = arith.constant 1 : i32
      %scan3A_195:8 = scf.for %scan3A_519 = %scan3A_191 to %scan3A_193 step %scan3A_194 iter_args(%scan3A_520 = %get3A_155, %scan3A_521 = %get3A_160, %scan3A_522 = %get3A_165, %scan3A_523 = %get3A_170, %scan3A_524 = %get3A_175, %scan3A_525 = %get3A_180, %scan3A_526 = %get3A_185, %scan3A_527 = %get3A_190) -> (vector<16xf32>, vector<16xf32>, vector<16xf32>, vector<16xf32>, vector<16xf32>, vector<16xf32>, vector<16xf32>, vector<16xf32>)  : i32 {
        %get3A_528 = arith.index_cast %scan3A_519 : i32 to index
        %get3A_529 = arith.constant 0 : index
        %get3A_530 = tpu.vector_load %arg8[%get3A_528, %get3A_529] {strides = array<i32>} : memref<50x128xf32, #tpu.memory_space<vmem>>, vector<1x16xf32>,
        %get3A_531 = vector.shape_cast %get3A_530 : vector<1x16xf32> to vector<16xf32>
        %add3A_532 = arith.addf %scan3A_520, %get3A_531 : vector<16xf32>
        %get3A_533 = arith.index_cast %scan3A_519 : i32 to index
        %get3A_534 = arith.constant 16 : index
        %get3A_535 = tpu.vector_load %arg8[%get3A_533, %get3A_534] {strides = array<i32>} : memref<50x128xf32, #tpu.memory_space<vmem>>, vector<1x16xf32>,
        %get3A_536 = vector.shape_cast %get3A_535 : vector<1x16xf32> to vector<16xf32>
        %add3A_537 = arith.addf %scan3A_521, %get3A_536 : vector<16xf32>
        %get3A_538 = arith.index_cast %scan3A_519 : i32 to index
        %get3A_539 = arith.constant 32 : index
        %get3A_540 = tpu.vector_load %arg8[%get3A_538, %get3A_539] {strides = array<i32>} : memref<50x128xf32, #tpu.memory_space<vmem>>, vector<1x16xf32>,
        %get3A_541 = vector.shape_cast %get3A_540 : vector<1x16xf32> to vector<16xf32>
        %add3A_542 = arith.addf %scan3A_522, %get3A_541 : vector<16xf32>
        %get3A_543 = arith.index_cast %scan3A_519 : i32 to index
        %get3A_544 = arith.constant 48 : index
        %get3A_545 = tpu.vector_load %arg8[%get3A_543, %get3A_544] {strides = array<i32>} : memref<50x128xf32, #tpu.memory_space<vmem>>, vector<1x16xf32>,
        %get3A_546 = vector.shape_cast %get3A_545 : vector<1x16xf32> to vector<16xf32>
        %add3A_547 = arith.addf %scan3A_523, %get3A_546 : vector<16xf32>
        %get3A_548 = arith.index_cast %scan3A_519 : i32 to index
        %get3A_549 = arith.constant 64 : index
        %get3A_550 = tpu.vector_load %arg8[%get3A_548, %get3A_549] {strides = array<i32>} : memref<50x128xf32, #tpu.memory_space<vmem>>, vector<1x16xf32>,
        %get3A_551 = vector.shape_cast %get3A_550 : vector<1x16xf32> to vector<16xf32>
        %add3A_552 = arith.addf %scan3A_524, %get3A_551 : vector<16xf32>
        %get3A_553 = arith.index_cast %scan3A_519 : i32 to index
        %get3A_554 = arith.constant 80 : index
        %get3A_555 = tpu.vector_load %arg8[%get3A_553, %get3A_554] {strides = array<i32>} : memref<50x128xf32, #tpu.memory_space<vmem>>, vector<1x16xf32>,
        %get3A_556 = vector.shape_cast %get3A_555 : vector<1x16xf32> to vector<16xf32>
        %add3A_557 = arith.addf %scan3A_525, %get3A_556 : vector<16xf32>
        %get3A_558 = arith.index_cast %scan3A_519 : i32 to index
        %get3A_559 = arith.constant 96 : index
        %get3A_560 = tpu.vector_load %arg8[%get3A_558, %get3A_559] {strides = array<i32>} : memref<50x128xf32, #tpu.memory_space<vmem>>, vector<1x16xf32>,
        %get3A_561 = vector.shape_cast %get3A_560 : vector<1x16xf32> to vector<16xf32>
        %add3A_562 = arith.addf %scan3A_526, %get3A_561 : vector<16xf32>
        %get3A_563 = arith.index_cast %scan3A_519 : i32 to index
        %get3A_564 = arith.constant 112 : index
        %get3A_565 = tpu.vector_load %arg8[%get3A_563, %get3A_564] {strides = array<i32>} : memref<50x128xf32, #tpu.memory_space<vmem>>, vector<1x16xf32>,
        %get3A_566 = vector.shape_cast %get3A_565 : vector<1x16xf32> to vector<16xf32>
        %add3A_567 = arith.addf %scan3A_527, %get3A_566 : vector<16xf32>
        scf.yield %add3A_532, %add3A_537, %add3A_542, %add3A_547, %add3A_552, %add3A_557, %add3A_562, %add3A_567 : vector<16xf32>, vector<16xf32>, vector<16xf32>, vector<16xf32>, vector<16xf32>, vector<16xf32>, vector<16xf32>, vector<16xf32>
      }
      %scan3A_196 = arith.constant 49 : i32
      %jit3A_197 = arith.constant 48 : i32
      %eq3A_198 = arith.constant 0 : i32
      %eq3A_199 = arith.cmpi eq, %jit3A_197, %eq3A_198 : i32
      %jit3A_200 = arith.constant 1 : i32
      %select_n3A_201 = arith.select %eq3A_199, %jit3A_200, %jit3A_197 : i32
      %rem3A_202 = arith.remsi %add3A_144, %select_n3A_201 : i32
      %ne3A_203 = arith.constant 0 : i32
      %ne3A_204 = arith.cmpi ne, %rem3A_202, %ne3A_203 : i32
      %lt3A_205 = arith.constant 0 : i32
      %lt3A_206 = arith.cmpi slt, %rem3A_202, %lt3A_205 : i32
      %lt3A_207 = arith.constant 0 : i32
      %lt3A_208 = arith.cmpi slt, %select_n3A_201, %lt3A_207 : i32
      %ne3A_209 = arith.xori %lt3A_206, %lt3A_208 : i1
      %and3A_210 = arith.andi %ne3A_209, %ne3A_204 : i1
      %add3A_211 = arith.addi %rem3A_202, %select_n3A_201 : i32
      %select_n3A_212 = arith.select %and3A_210, %add3A_211, %rem3A_202 : i32
      %swap3A_213 = arith.index_cast %select_n3A_212 : i32 to index
      %swap3A_214 = arith.constant 0 : index
      %swap3A_215 = tpu.vector_load %arg6[%swap3A_213, %swap3A_214] {strides = array<i32>} : memref<48x128xf32, #tpu.memory_space<vmem>>, vector<1x16xf32>,
      %swap3A_216 = vector.shape_cast %swap3A_215 : vector<1x16xf32> to vector<16xf32>
      %swap3A_217 = vector.shape_cast %scan3A_195#0 : vector<16xf32> to vector<1x16xf32>
      tpu.vector_store %arg6[%swap3A_213, %swap3A_214], %swap3A_217 {strides = array<i32>} : memref<48x128xf32, #tpu.memory_space<vmem>>, vector<1x16xf32>,
      %swap3A_218 = arith.index_cast %select_n3A_212 : i32 to index
      %swap3A_219 = arith.constant 16 : index
      %swap3A_220 = tpu.vector_load %arg6[%swap3A_218, %swap3A_219] {strides = array<i32>} : memref<48x128xf32, #tpu.memory_space<vmem>>, vector<1x16xf32>,
      %swap3A_221 = vector.shape_cast %swap3A_220 : vector<1x16xf32> to vector<16xf32>
      %swap3A_222 = vector.shape_cast %scan3A_195#1 : vector<16xf32> to vector<1x16xf32>
      tpu.vector_store %arg6[%swap3A_218, %swap3A_219], %swap3A_222 {strides = array<i32>} : memref<48x128xf32, #tpu.memory_space<vmem>>, vector<1x16xf32>,
      %swap3A_223 = arith.index_cast %select_n3A_212 : i32 to index
      %swap3A_224 = arith.constant 32 : index
      %swap3A_225 = tpu.vector_load %arg6[%swap3A_223, %swap3A_224] {strides = array<i32>} : memref<48x128xf32, #tpu.memory_space<vmem>>, vector<1x16xf32>,
      %swap3A_226 = vector.shape_cast %swap3A_225 : vector<1x16xf32> to vector<16xf32>
      %swap3A_227 = vector.shape_cast %scan3A_195#2 : vector<16xf32> to vector<1x16xf32>
      tpu.vector_store %arg6[%swap3A_223, %swap3A_224], %swap3A_227 {strides = array<i32>} : memref<48x128xf32, #tpu.memory_space<vmem>>, vector<1x16xf32>,
      %swap3A_228 = arith.index_cast %select_n3A_212 : i32 to index
      %swap3A_229 = arith.constant 48 : index
      %swap3A_230 = tpu.vector_load %arg6[%swap3A_228, %swap3A_229] {strides = array<i32>} : memref<48x128xf32, #tpu.memory_space<vmem>>, vector<1x16xf32>,
      %swap3A_231 = vector.shape_cast %swap3A_230 : vector<1x16xf32> to vector<16xf32>
      %swap3A_232 = vector.shape_cast %scan3A_195#3 : vector<16xf32> to vector<1x16xf32>
      tpu.vector_store %arg6[%swap3A_228, %swap3A_229], %swap3A_232 {strides = array<i32>} : memref<48x128xf32, #tpu.memory_space<vmem>>, vector<1x16xf32>,
      %swap3A_233 = arith.index_cast %select_n3A_212 : i32 to index
      %swap3A_234 = arith.constant 64 : index
      %swap3A_235 = tpu.vector_load %arg6[%swap3A_233, %swap3A_234] {strides = array<i32>} : memref<48x128xf32, #tpu.memory_space<vmem>>, vector<1x16xf32>,
      %swap3A_236 = vector.shape_cast %swap3A_235 : vector<1x16xf32> to vector<16xf32>
      %swap3A_237 = vector.shape_cast %scan3A_195#4 : vector<16xf32> to vector<1x16xf32>
      tpu.vector_store %arg6[%swap3A_233, %swap3A_234], %swap3A_237 {strides = array<i32>} : memref<48x128xf32, #tpu.memory_space<vmem>>, vector<1x16xf32>,
      %swap3A_238 = arith.index_cast %select_n3A_212 : i32 to index
      %swap3A_239 = arith.constant 80 : index
      %swap3A_240 = tpu.vector_load %arg6[%swap3A_238, %swap3A_239] {strides = array<i32>} : memref<48x128xf32, #tpu.memory_space<vmem>>, vector<1x16xf32>,
      %swap3A_241 = vector.shape_cast %swap3A_240 : vector<1x16xf32> to vector<16xf32>
      %swap3A_242 = vector.shape_cast %scan3A_195#5 : vector<16xf32> to vector<1x16xf32>
      tpu.vector_store %arg6[%swap3A_238, %swap3A_239], %swap3A_242 {strides = array<i32>} : memref<48x128xf32, #tpu.memory_space<vmem>>, vector<1x16xf32>,
      %swap3A_243 = arith.index_cast %select_n3A_212 : i32 to index
      %swap3A_244 = arith.constant 96 : index
      %swap3A_245 = tpu.vector_load %arg6[%swap3A_243, %swap3A_244] {strides = array<i32>} : memref<48x128xf32, #tpu.memory_space<vmem>>, vector<1x16xf32>,
      %swap3A_246 = vector.shape_cast %swap3A_245 : vector<1x16xf32> to vector<16xf32>
      %swap3A_247 = vector.shape_cast %scan3A_195#6 : vector<16xf32> to vector<1x16xf32>
      tpu.vector_store %arg6[%swap3A_243, %swap3A_244], %swap3A_247 {strides = array<i32>} : memref<48x128xf32, #tpu.memory_space<vmem>>, vector<1x16xf32>,
      %swap3A_248 = arith.index_cast %select_n3A_212 : i32 to index
      %swap3A_249 = arith.constant 112 : index
      %swap3A_250 = tpu.vector_load %arg6[%swap3A_248, %swap3A_249] {strides = array<i32>} : memref<48x128xf32, #tpu.memory_space<vmem>>, vector<1x16xf32>,
      %swap3A_251 = vector.shape_cast %swap3A_250 : vector<1x16xf32> to vector<16xf32>
      %swap3A_252 = vector.shape_cast %scan3A_195#7 : vector<16xf32> to vector<1x16xf32>
      tpu.vector_store %arg6[%swap3A_248, %swap3A_249], %swap3A_252 {strides = array<i32>} : memref<48x128xf32, #tpu.memory_space<vmem>>, vector<1x16xf32>,
      %add3A_253 = arith.constant 4 : i32
      %add3A_254 = arith.addi %add3A_144, %add3A_253 : i32
      %lt3A_255 = arith.constant 384 : i32
      %lt3A_256 = arith.cmpi slt, %add3A_254, %lt3A_255 : i32
      %convert_element_type3A_257 = arith.extui %lt3A_256 : i1 to i32
      %cond3A_258 = arith.constant 0 : i32
      %cond3A_259 = arith.cmpi ne, %convert_element_type3A_257, %cond3A_258 : i32
      scf.if %cond3A_259 {
        %add3A_519 = arith.constant 4 : i32
        %add3A_520 = arith.addi %add3A_144, %add3A_519 : i32
        %dma_start3A_521 = arith.constant 0 : i32
        %dma_start3A_522 = tpu.memref_slice %arg5[%add3A_520, %dma_start3A_521] : memref<384x50xi32, #tpu.memory_space<vmem>> -> memref<1x50xi32, #tpu.memory_space<vmem>>
        %dma_start3A_523 = tpu.memref_squeeze %dma_start3A_522 : memref<1x50xi32, #tpu.memory_space<vmem>> -> memref<50xi32, #tpu.memory_space<vmem>>
        %dma_start3A_524 = arith.constant 0 : i32
        %dma_start3A_525 = arith.constant 0 : i32
        %dma_start3A_526 = tpu.memref_slice %arg3[%dma_start3A_524, %dma_start3A_525] : memref<100000x128xf32, #tpu.memory_space<hbm>> -> memref<100000x128xf32, #tpu.memory_space<hbm>>
        tpu.enqueue_indirect_dma source(%dma_start3A_526 : memref<100000x128xf32, #tpu.memory_space<hbm>>) target(%arg8 : memref<50x128xf32, #tpu.memory_space<vmem>>) offsets(%dma_start3A_523 : memref<50xi32, #tpu.memory_space<vmem>>) semaphore(%arg12 : memref<!tpu.dma_semaphore, #tpu.memory_space<semaphore_mem>>)
      } else {
      }
      %mul3A_260 = arith.constant 4 : i32
      %mul3A_261 = arith.muli %scan3A_33, %mul3A_260 : i32
      %add3A_262 = arith.constant 2 : i32
      %add3A_263 = arith.addi %mul3A_261, %add3A_262 : i32
      %dma_wait3A_264 = arith.constant 0 : i32
      %dma_wait3A_265 = tpu.memref_slice %arg5[%add3A_263, %dma_wait3A_264] : memref<384x50xi32, #tpu.memory_space<vmem>> -> memref<1x50xi32, #tpu.memory_space<vmem>>
      %dma_wait3A_266 = tpu.memref_squeeze %dma_wait3A_265 : memref<1x50xi32, #tpu.memory_space<vmem>> -> memref<50xi32, #tpu.memory_space<vmem>>
      %dma_wait3A_267 = arith.constant 0 : i32
      %dma_wait3A_268 = arith.constant 0 : i32
      %dma_wait3A_269 = tpu.memref_slice %arg3[%dma_wait3A_267, %dma_wait3A_268] : memref<100000x128xf32, #tpu.memory_space<hbm>> -> memref<100000x128xf32, #tpu.memory_space<hbm>>
      tpu.wait_indirect_dma semaphore(%arg13 : memref<!tpu.dma_semaphore, #tpu.memory_space<semaphore_mem>>) src(%dma_wait3A_269 : memref<100000x128xf32, #tpu.memory_space<hbm>>) dst(%arg9 : memref<50x128xf32, #tpu.memory_space<vmem>>)
      %get3A_270 = arith.constant 0 : i32
      %get3A_271 = arith.index_cast %get3A_270 : i32 to index
      %get3A_272 = arith.constant 0 : index
      %get3A_273 = tpu.vector_load %arg9[%get3A_271, %get3A_272] {strides = array<i32>} : memref<50x128xf32, #tpu.memory_space<vmem>>, vector<1x16xf32>,
      %get3A_274 = vector.shape_cast %get3A_273 : vector<1x16xf32> to vector<16xf32>
      %get3A_275 = arith.constant 0 : i32
      %get3A_276 = arith.index_cast %get3A_275 : i32 to index
      %get3A_277 = arith.constant 16 : index
      %get3A_278 = tpu.vector_load %arg9[%get3A_276, %get3A_277] {strides = array<i32>} : memref<50x128xf32, #tpu.memory_space<vmem>>, vector<1x16xf32>,
      %get3A_279 = vector.shape_cast %get3A_278 : vector<1x16xf32> to vector<16xf32>
      %get3A_280 = arith.constant 0 : i32
      %get3A_281 = arith.index_cast %get3A_280 : i32 to index
      %get3A_282 = arith.constant 32 : index
      %get3A_283 = tpu.vector_load %arg9[%get3A_281, %get3A_282] {strides = array<i32>} : memref<50x128xf32, #tpu.memory_space<vmem>>, vector<1x16xf32>,
      %get3A_284 = vector.shape_cast %get3A_283 : vector<1x16xf32> to vector<16xf32>
      %get3A_285 = arith.constant 0 : i32
      %get3A_286 = arith.index_cast %get3A_285 : i32 to index
      %get3A_287 = arith.constant 48 : index
      %get3A_288 = tpu.vector_load %arg9[%get3A_286, %get3A_287] {strides = array<i32>} : memref<50x128xf32, #tpu.memory_space<vmem>>, vector<1x16xf32>,
      %get3A_289 = vector.shape_cast %get3A_288 : vector<1x16xf32> to vector<16xf32>
      %get3A_290 = arith.constant 0 : i32
      %get3A_291 = arith.index_cast %get3A_290 : i32 to index
      %get3A_292 = arith.constant 64 : index
      %get3A_293 = tpu.vector_load %arg9[%get3A_291, %get3A_292] {strides = array<i32>} : memref<50x128xf32, #tpu.memory_space<vmem>>, vector<1x16xf32>,
      %get3A_294 = vector.shape_cast %get3A_293 : vector<1x16xf32> to vector<16xf32>
      %get3A_295 = arith.constant 0 : i32
      %get3A_296 = arith.index_cast %get3A_295 : i32 to index
      %get3A_297 = arith.constant 80 : index
      %get3A_298 = tpu.vector_load %arg9[%get3A_296, %get3A_297] {strides = array<i32>} : memref<50x128xf32, #tpu.memory_space<vmem>>, vector<1x16xf32>,
      %get3A_299 = vector.shape_cast %get3A_298 : vector<1x16xf32> to vector<16xf32>
      %get3A_300 = arith.constant 0 : i32
      %get3A_301 = arith.index_cast %get3A_300 : i32 to index
      %get3A_302 = arith.constant 96 : index
      %get3A_303 = tpu.vector_load %arg9[%get3A_301, %get3A_302] {strides = array<i32>} : memref<50x128xf32, #tpu.memory_space<vmem>>, vector<1x16xf32>,
      %get3A_304 = vector.shape_cast %get3A_303 : vector<1x16xf32> to vector<16xf32>
      %get3A_305 = arith.constant 0 : i32
      %get3A_306 = arith.index_cast %get3A_305 : i32 to index
      %get3A_307 = arith.constant 112 : index
      %get3A_308 = tpu.vector_load %arg9[%get3A_306, %get3A_307] {strides = array<i32>} : memref<50x128xf32, #tpu.memory_space<vmem>>, vector<1x16xf32>,
      %get3A_309 = vector.shape_cast %get3A_308 : vector<1x16xf32> to vector<16xf32>
      %scan3A_310 = arith.constant 1 : i32
      %scan3A_311 = arith.constant 49 : i32
      %scan3A_312 = arith.addi %scan3A_310, %scan3A_311 : i32
      %scan3A_313 = arith.constant 1 : i32
      %scan3A_314:8 = scf.for %scan3A_519 = %scan3A_310 to %scan3A_312 step %scan3A_313 iter_args(%scan3A_520 = %get3A_274, %scan3A_521 = %get3A_279, %scan3A_522 = %get3A_284, %scan3A_523 = %get3A_289, %scan3A_524 = %get3A_294, %scan3A_525 = %get3A_299, %scan3A_526 = %get3A_304, %scan3A_527 = %get3A_309) -> (vector<16xf32>, vector<16xf32>, vector<16xf32>, vector<16xf32>, vector<16xf32>, vector<16xf32>, vector<16xf32>, vector<16xf32>)  : i32 {
        %get3A_528 = arith.index_cast %scan3A_519 : i32 to index
        %get3A_529 = arith.constant 0 : index
        %get3A_530 = tpu.vector_load %arg9[%get3A_528, %get3A_529] {strides = array<i32>} : memref<50x128xf32, #tpu.memory_space<vmem>>, vector<1x16xf32>,
        %get3A_531 = vector.shape_cast %get3A_530 : vector<1x16xf32> to vector<16xf32>
        %add3A_532 = arith.addf %scan3A_520, %get3A_531 : vector<16xf32>
        %get3A_533 = arith.index_cast %scan3A_519 : i32 to index
        %get3A_534 = arith.constant 16 : index
        %get3A_535 = tpu.vector_load %arg9[%get3A_533, %get3A_534] {strides = array<i32>} : memref<50x128xf32, #tpu.memory_space<vmem>>, vector<1x16xf32>,
        %get3A_536 = vector.shape_cast %get3A_535 : vector<1x16xf32> to vector<16xf32>
        %add3A_537 = arith.addf %scan3A_521, %get3A_536 : vector<16xf32>
        %get3A_538 = arith.index_cast %scan3A_519 : i32 to index
        %get3A_539 = arith.constant 32 : index
        %get3A_540 = tpu.vector_load %arg9[%get3A_538, %get3A_539] {strides = array<i32>} : memref<50x128xf32, #tpu.memory_space<vmem>>, vector<1x16xf32>,
        %get3A_541 = vector.shape_cast %get3A_540 : vector<1x16xf32> to vector<16xf32>
        %add3A_542 = arith.addf %scan3A_522, %get3A_541 : vector<16xf32>
        %get3A_543 = arith.index_cast %scan3A_519 : i32 to index
        %get3A_544 = arith.constant 48 : index
        %get3A_545 = tpu.vector_load %arg9[%get3A_543, %get3A_544] {strides = array<i32>} : memref<50x128xf32, #tpu.memory_space<vmem>>, vector<1x16xf32>,
        %get3A_546 = vector.shape_cast %get3A_545 : vector<1x16xf32> to vector<16xf32>
        %add3A_547 = arith.addf %scan3A_523, %get3A_546 : vector<16xf32>
        %get3A_548 = arith.index_cast %scan3A_519 : i32 to index
        %get3A_549 = arith.constant 64 : index
        %get3A_550 = tpu.vector_load %arg9[%get3A_548, %get3A_549] {strides = array<i32>} : memref<50x128xf32, #tpu.memory_space<vmem>>, vector<1x16xf32>,
        %get3A_551 = vector.shape_cast %get3A_550 : vector<1x16xf32> to vector<16xf32>
        %add3A_552 = arith.addf %scan3A_524, %get3A_551 : vector<16xf32>
        %get3A_553 = arith.index_cast %scan3A_519 : i32 to index
        %get3A_554 = arith.constant 80 : index
        %get3A_555 = tpu.vector_load %arg9[%get3A_553, %get3A_554] {strides = array<i32>} : memref<50x128xf32, #tpu.memory_space<vmem>>, vector<1x16xf32>,
        %get3A_556 = vector.shape_cast %get3A_555 : vector<1x16xf32> to vector<16xf32>
        %add3A_557 = arith.addf %scan3A_525, %get3A_556 : vector<16xf32>
        %get3A_558 = arith.index_cast %scan3A_519 : i32 to index
        %get3A_559 = arith.constant 96 : index
        %get3A_560 = tpu.vector_load %arg9[%get3A_558, %get3A_559] {strides = array<i32>} : memref<50x128xf32, #tpu.memory_space<vmem>>, vector<1x16xf32>,
        %get3A_561 = vector.shape_cast %get3A_560 : vector<1x16xf32> to vector<16xf32>
        %add3A_562 = arith.addf %scan3A_526, %get3A_561 : vector<16xf32>
        %get3A_563 = arith.index_cast %scan3A_519 : i32 to index
        %get3A_564 = arith.constant 112 : index
        %get3A_565 = tpu.vector_load %arg9[%get3A_563, %get3A_564] {strides = array<i32>} : memref<50x128xf32, #tpu.memory_space<vmem>>, vector<1x16xf32>,
        %get3A_566 = vector.shape_cast %get3A_565 : vector<1x16xf32> to vector<16xf32>
        %add3A_567 = arith.addf %scan3A_527, %get3A_566 : vector<16xf32>
        scf.yield %add3A_532, %add3A_537, %add3A_542, %add3A_547, %add3A_552, %add3A_557, %add3A_562, %add3A_567 : vector<16xf32>, vector<16xf32>, vector<16xf32>, vector<16xf32>, vector<16xf32>, vector<16xf32>, vector<16xf32>, vector<16xf32>
      }
      %scan3A_315 = arith.constant 49 : i32
      %jit3A_316 = arith.constant 48 : i32
      %eq3A_317 = arith.constant 0 : i32
      %eq3A_318 = arith.cmpi eq, %jit3A_316, %eq3A_317 : i32
      %jit3A_319 = arith.constant 1 : i32
      %select_n3A_320 = arith.select %eq3A_318, %jit3A_319, %jit3A_316 : i32
      %rem3A_321 = arith.remsi %add3A_263, %select_n3A_320 : i32
      %ne3A_322 = arith.constant 0 : i32
      %ne3A_323 = arith.cmpi ne, %rem3A_321, %ne3A_322 : i32
      %lt3A_324 = arith.constant 0 : i32
      %lt3A_325 = arith.cmpi slt, %rem3A_321, %lt3A_324 : i32
      %lt3A_326 = arith.constant 0 : i32
      %lt3A_327 = arith.cmpi slt, %select_n3A_320, %lt3A_326 : i32
      %ne3A_328 = arith.xori %lt3A_325, %lt3A_327 : i1
      %and3A_329 = arith.andi %ne3A_328, %ne3A_323 : i1
      %add3A_330 = arith.addi %rem3A_321, %select_n3A_320 : i32
      %select_n3A_331 = arith.select %and3A_329, %add3A_330, %rem3A_321 : i32
      %swap3A_332 = arith.index_cast %select_n3A_331 : i32 to index
      %swap3A_333 = arith.constant 0 : index
      %swap3A_334 = tpu.vector_load %arg6[%swap3A_332, %swap3A_333] {strides = array<i32>} : memref<48x128xf32, #tpu.memory_space<vmem>>, vector<1x16xf32>,
      %swap3A_335 = vector.shape_cast %swap3A_334 : vector<1x16xf32> to vector<16xf32>
      %swap3A_336 = vector.shape_cast %scan3A_314#0 : vector<16xf32> to vector<1x16xf32>
      tpu.vector_store %arg6[%swap3A_332, %swap3A_333], %swap3A_336 {strides = array<i32>} : memref<48x128xf32, #tpu.memory_space<vmem>>, vector<1x16xf32>,
      %swap3A_337 = arith.index_cast %select_n3A_331 : i32 to index
      %swap3A_338 = arith.constant 16 : index
      %swap3A_339 = tpu.vector_load %arg6[%swap3A_337, %swap3A_338] {strides = array<i32>} : memref<48x128xf32, #tpu.memory_space<vmem>>, vector<1x16xf32>,
      %swap3A_340 = vector.shape_cast %swap3A_339 : vector<1x16xf32> to vector<16xf32>
      %swap3A_341 = vector.shape_cast %scan3A_314#1 : vector<16xf32> to vector<1x16xf32>
      tpu.vector_store %arg6[%swap3A_337, %swap3A_338], %swap3A_341 {strides = array<i32>} : memref<48x128xf32, #tpu.memory_space<vmem>>, vector<1x16xf32>,
      %swap3A_342 = arith.index_cast %select_n3A_331 : i32 to index
      %swap3A_343 = arith.constant 32 : index
      %swap3A_344 = tpu.vector_load %arg6[%swap3A_342, %swap3A_343] {strides = array<i32>} : memref<48x128xf32, #tpu.memory_space<vmem>>, vector<1x16xf32>,
      %swap3A_345 = vector.shape_cast %swap3A_344 : vector<1x16xf32> to vector<16xf32>
      %swap3A_346 = vector.shape_cast %scan3A_314#2 : vector<16xf32> to vector<1x16xf32>
      tpu.vector_store %arg6[%swap3A_342, %swap3A_343], %swap3A_346 {strides = array<i32>} : memref<48x128xf32, #tpu.memory_space<vmem>>, vector<1x16xf32>,
      %swap3A_347 = arith.index_cast %select_n3A_331 : i32 to index
      %swap3A_348 = arith.constant 48 : index
      %swap3A_349 = tpu.vector_load %arg6[%swap3A_347, %swap3A_348] {strides = array<i32>} : memref<48x128xf32, #tpu.memory_space<vmem>>, vector<1x16xf32>,
      %swap3A_350 = vector.shape_cast %swap3A_349 : vector<1x16xf32> to vector<16xf32>
      %swap3A_351 = vector.shape_cast %scan3A_314#3 : vector<16xf32> to vector<1x16xf32>
      tpu.vector_store %arg6[%swap3A_347, %swap3A_348], %swap3A_351 {strides = array<i32>} : memref<48x128xf32, #tpu.memory_space<vmem>>, vector<1x16xf32>,
      %swap3A_352 = arith.index_cast %select_n3A_331 : i32 to index
      %swap3A_353 = arith.constant 64 : index
      %swap3A_354 = tpu.vector_load %arg6[%swap3A_352, %swap3A_353] {strides = array<i32>} : memref<48x128xf32, #tpu.memory_space<vmem>>, vector<1x16xf32>,
      %swap3A_355 = vector.shape_cast %swap3A_354 : vector<1x16xf32> to vector<16xf32>
      %swap3A_356 = vector.shape_cast %scan3A_314#4 : vector<16xf32> to vector<1x16xf32>
      tpu.vector_store %arg6[%swap3A_352, %swap3A_353], %swap3A_356 {strides = array<i32>} : memref<48x128xf32, #tpu.memory_space<vmem>>, vector<1x16xf32>,
      %swap3A_357 = arith.index_cast %select_n3A_331 : i32 to index
      %swap3A_358 = arith.constant 80 : index
      %swap3A_359 = tpu.vector_load %arg6[%swap3A_357, %swap3A_358] {strides = array<i32>} : memref<48x128xf32, #tpu.memory_space<vmem>>, vector<1x16xf32>,
      %swap3A_360 = vector.shape_cast %swap3A_359 : vector<1x16xf32> to vector<16xf32>
      %swap3A_361 = vector.shape_cast %scan3A_314#5 : vector<16xf32> to vector<1x16xf32>
      tpu.vector_store %arg6[%swap3A_357, %swap3A_358], %swap3A_361 {strides = array<i32>} : memref<48x128xf32, #tpu.memory_space<vmem>>, vector<1x16xf32>,
      %swap3A_362 = arith.index_cast %select_n3A_331 : i32 to index
      %swap3A_363 = arith.constant 96 : index
      %swap3A_364 = tpu.vector_load %arg6[%swap3A_362, %swap3A_363] {strides = array<i32>} : memref<48x128xf32, #tpu.memory_space<vmem>>, vector<1x16xf32>,
      %swap3A_365 = vector.shape_cast %swap3A_364 : vector<1x16xf32> to vector<16xf32>
      %swap3A_366 = vector.shape_cast %scan3A_314#6 : vector<16xf32> to vector<1x16xf32>
      tpu.vector_store %arg6[%swap3A_362, %swap3A_363], %swap3A_366 {strides = array<i32>} : memref<48x128xf32, #tpu.memory_space<vmem>>, vector<1x16xf32>,
      %swap3A_367 = arith.index_cast %select_n3A_331 : i32 to index
      %swap3A_368 = arith.constant 112 : index
      %swap3A_369 = tpu.vector_load %arg6[%swap3A_367, %swap3A_368] {strides = array<i32>} : memref<48x128xf32, #tpu.memory_space<vmem>>, vector<1x16xf32>,
      %swap3A_370 = vector.shape_cast %swap3A_369 : vector<1x16xf32> to vector<16xf32>
      %swap3A_371 = vector.shape_cast %scan3A_314#7 : vector<16xf32> to vector<1x16xf32>
      tpu.vector_store %arg6[%swap3A_367, %swap3A_368], %swap3A_371 {strides = array<i32>} : memref<48x128xf32, #tpu.memory_space<vmem>>, vector<1x16xf32>,
      %add3A_372 = arith.constant 4 : i32
      %add3A_373 = arith.addi %add3A_263, %add3A_372 : i32
      %lt3A_374 = arith.constant 384 : i32
      %lt3A_375 = arith.cmpi slt, %add3A_373, %lt3A_374 : i32
      %convert_element_type3A_376 = arith.extui %lt3A_375 : i1 to i32
      %cond3A_377 = arith.constant 0 : i32
      %cond3A_378 = arith.cmpi ne, %convert_element_type3A_376, %cond3A_377 : i32
      scf.if %cond3A_378 {
        %add3A_519 = arith.constant 4 : i32
        %add3A_520 = arith.addi %add3A_263, %add3A_519 : i32
        %dma_start3A_521 = arith.constant 0 : i32
        %dma_start3A_522 = tpu.memref_slice %arg5[%add3A_520, %dma_start3A_521] : memref<384x50xi32, #tpu.memory_space<vmem>> -> memref<1x50xi32, #tpu.memory_space<vmem>>
        %dma_start3A_523 = tpu.memref_squeeze %dma_start3A_522 : memref<1x50xi32, #tpu.memory_space<vmem>> -> memref<50xi32, #tpu.memory_space<vmem>>
        %dma_start3A_524 = arith.constant 0 : i32
        %dma_start3A_525 = arith.constant 0 : i32
        %dma_start3A_526 = tpu.memref_slice %arg3[%dma_start3A_524, %dma_start3A_525] : memref<100000x128xf32, #tpu.memory_space<hbm>> -> memref<100000x128xf32, #tpu.memory_space<hbm>>
        tpu.enqueue_indirect_dma source(%dma_start3A_526 : memref<100000x128xf32, #tpu.memory_space<hbm>>) target(%arg9 : memref<50x128xf32, #tpu.memory_space<vmem>>) offsets(%dma_start3A_523 : memref<50xi32, #tpu.memory_space<vmem>>) semaphore(%arg13 : memref<!tpu.dma_semaphore, #tpu.memory_space<semaphore_mem>>)
      } else {
      }
      %mul3A_379 = arith.constant 4 : i32
      %mul3A_380 = arith.muli %scan3A_33, %mul3A_379 : i32
      %add3A_381 = arith.constant 3 : i32
      %add3A_382 = arith.addi %mul3A_380, %add3A_381 : i32
      %dma_wait3A_383 = arith.constant 0 : i32
      %dma_wait3A_384 = tpu.memref_slice %arg5[%add3A_382, %dma_wait3A_383] : memref<384x50xi32, #tpu.memory_space<vmem>> -> memref<1x50xi32, #tpu.memory_space<vmem>>
      %dma_wait3A_385 = tpu.memref_squeeze %dma_wait3A_384 : memref<1x50xi32, #tpu.memory_space<vmem>> -> memref<50xi32, #tpu.memory_space<vmem>>
      %dma_wait3A_386 = arith.constant 0 : i32
      %dma_wait3A_387 = arith.constant 0 : i32
      %dma_wait3A_388 = tpu.memref_slice %arg3[%dma_wait3A_386, %dma_wait3A_387] : memref<100000x128xf32, #tpu.memory_space<hbm>> -> memref<100000x128xf32, #tpu.memory_space<hbm>>
      tpu.wait_indirect_dma semaphore(%arg14 : memref<!tpu.dma_semaphore, #tpu.memory_space<semaphore_mem>>) src(%dma_wait3A_388 : memref<100000x128xf32, #tpu.memory_space<hbm>>) dst(%arg10 : memref<50x128xf32, #tpu.memory_space<vmem>>)
      %get3A_389 = arith.constant 0 : i32
      %get3A_390 = arith.index_cast %get3A_389 : i32 to index
      %get3A_391 = arith.constant 0 : index
      %get3A_392 = tpu.vector_load %arg10[%get3A_390, %get3A_391] {strides = array<i32>} : memref<50x128xf32, #tpu.memory_space<vmem>>, vector<1x16xf32>,
      %get3A_393 = vector.shape_cast %get3A_392 : vector<1x16xf32> to vector<16xf32>
      %get3A_394 = arith.constant 0 : i32
      %get3A_395 = arith.index_cast %get3A_394 : i32 to index
      %get3A_396 = arith.constant 16 : index
      %get3A_397 = tpu.vector_load %arg10[%get3A_395, %get3A_396] {strides = array<i32>} : memref<50x128xf32, #tpu.memory_space<vmem>>, vector<1x16xf32>,
      %get3A_398 = vector.shape_cast %get3A_397 : vector<1x16xf32> to vector<16xf32>
      %get3A_399 = arith.constant 0 : i32
      %get3A_400 = arith.index_cast %get3A_399 : i32 to index
      %get3A_401 = arith.constant 32 : index
      %get3A_402 = tpu.vector_load %arg10[%get3A_400, %get3A_401] {strides = array<i32>} : memref<50x128xf32, #tpu.memory_space<vmem>>, vector<1x16xf32>,
      %get3A_403 = vector.shape_cast %get3A_402 : vector<1x16xf32> to vector<16xf32>
      %get3A_404 = arith.constant 0 : i32
      %get3A_405 = arith.index_cast %get3A_404 : i32 to index
      %get3A_406 = arith.constant 48 : index
      %get3A_407 = tpu.vector_load %arg10[%get3A_405, %get3A_406] {strides = array<i32>} : memref<50x128xf32, #tpu.memory_space<vmem>>, vector<1x16xf32>,
      %get3A_408 = vector.shape_cast %get3A_407 : vector<1x16xf32> to vector<16xf32>
      %get3A_409 = arith.constant 0 : i32
      %get3A_410 = arith.index_cast %get3A_409 : i32 to index
      %get3A_411 = arith.constant 64 : index
      %get3A_412 = tpu.vector_load %arg10[%get3A_410, %get3A_411] {strides = array<i32>} : memref<50x128xf32, #tpu.memory_space<vmem>>, vector<1x16xf32>,
      %get3A_413 = vector.shape_cast %get3A_412 : vector<1x16xf32> to vector<16xf32>
      %get3A_414 = arith.constant 0 : i32
      %get3A_415 = arith.index_cast %get3A_414 : i32 to index
      %get3A_416 = arith.constant 80 : index
      %get3A_417 = tpu.vector_load %arg10[%get3A_415, %get3A_416] {strides = array<i32>} : memref<50x128xf32, #tpu.memory_space<vmem>>, vector<1x16xf32>,
      %get3A_418 = vector.shape_cast %get3A_417 : vector<1x16xf32> to vector<16xf32>
      %get3A_419 = arith.constant 0 : i32
      %get3A_420 = arith.index_cast %get3A_419 : i32 to index
      %get3A_421 = arith.constant 96 : index
      %get3A_422 = tpu.vector_load %arg10[%get3A_420, %get3A_421] {strides = array<i32>} : memref<50x128xf32, #tpu.memory_space<vmem>>, vector<1x16xf32>,
      %get3A_423 = vector.shape_cast %get3A_422 : vector<1x16xf32> to vector<16xf32>
      %get3A_424 = arith.constant 0 : i32
      %get3A_425 = arith.index_cast %get3A_424 : i32 to index
      %get3A_426 = arith.constant 112 : index
      %get3A_427 = tpu.vector_load %arg10[%get3A_425, %get3A_426] {strides = array<i32>} : memref<50x128xf32, #tpu.memory_space<vmem>>, vector<1x16xf32>,
      %get3A_428 = vector.shape_cast %get3A_427 : vector<1x16xf32> to vector<16xf32>
      %scan3A_429 = arith.constant 1 : i32
      %scan3A_430 = arith.constant 49 : i32
      %scan3A_431 = arith.addi %scan3A_429, %scan3A_430 : i32
      %scan3A_432 = arith.constant 1 : i32
      %scan3A_433:8 = scf.for %scan3A_519 = %scan3A_429 to %scan3A_431 step %scan3A_432 iter_args(%scan3A_520 = %get3A_393, %scan3A_521 = %get3A_398, %scan3A_522 = %get3A_403, %scan3A_523 = %get3A_408, %scan3A_524 = %get3A_413, %scan3A_525 = %get3A_418, %scan3A_526 = %get3A_423, %scan3A_527 = %get3A_428) -> (vector<16xf32>, vector<16xf32>, vector<16xf32>, vector<16xf32>, vector<16xf32>, vector<16xf32>, vector<16xf32>, vector<16xf32>)  : i32 {
        %get3A_528 = arith.index_cast %scan3A_519 : i32 to index
        %get3A_529 = arith.constant 0 : index
        %get3A_530 = tpu.vector_load %arg10[%get3A_528, %get3A_529] {strides = array<i32>} : memref<50x128xf32, #tpu.memory_space<vmem>>, vector<1x16xf32>,
        %get3A_531 = vector.shape_cast %get3A_530 : vector<1x16xf32> to vector<16xf32>
        %add3A_532 = arith.addf %scan3A_520, %get3A_531 : vector<16xf32>
        %get3A_533 = arith.index_cast %scan3A_519 : i32 to index
        %get3A_534 = arith.constant 16 : index
        %get3A_535 = tpu.vector_load %arg10[%get3A_533, %get3A_534] {strides = array<i32>} : memref<50x128xf32, #tpu.memory_space<vmem>>, vector<1x16xf32>,
        %get3A_536 = vector.shape_cast %get3A_535 : vector<1x16xf32> to vector<16xf32>
        %add3A_537 = arith.addf %scan3A_521, %get3A_536 : vector<16xf32>
        %get3A_538 = arith.index_cast %scan3A_519 : i32 to index
        %get3A_539 = arith.constant 32 : index
        %get3A_540 = tpu.vector_load %arg10[%get3A_538, %get3A_539] {strides = array<i32>} : memref<50x128xf32, #tpu.memory_space<vmem>>, vector<1x16xf32>,
        %get3A_541 = vector.shape_cast %get3A_540 : vector<1x16xf32> to vector<16xf32>
        %add3A_542 = arith.addf %scan3A_522, %get3A_541 : vector<16xf32>
        %get3A_543 = arith.index_cast %scan3A_519 : i32 to index
        %get3A_544 = arith.constant 48 : index
        %get3A_545 = tpu.vector_load %arg10[%get3A_543, %get3A_544] {strides = array<i32>} : memref<50x128xf32, #tpu.memory_space<vmem>>, vector<1x16xf32>,
        %get3A_546 = vector.shape_cast %get3A_545 : vector<1x16xf32> to vector<16xf32>
        %add3A_547 = arith.addf %scan3A_523, %get3A_546 : vector<16xf32>
        %get3A_548 = arith.index_cast %scan3A_519 : i32 to index
        %get3A_549 = arith.constant 64 : index
        %get3A_550 = tpu.vector_load %arg10[%get3A_548, %get3A_549] {strides = array<i32>} : memref<50x128xf32, #tpu.memory_space<vmem>>, vector<1x16xf32>,
        %get3A_551 = vector.shape_cast %get3A_550 : vector<1x16xf32> to vector<16xf32>
        %add3A_552 = arith.addf %scan3A_524, %get3A_551 : vector<16xf32>
        %get3A_553 = arith.index_cast %scan3A_519 : i32 to index
        %get3A_554 = arith.constant 80 : index
        %get3A_555 = tpu.vector_load %arg10[%get3A_553, %get3A_554] {strides = array<i32>} : memref<50x128xf32, #tpu.memory_space<vmem>>, vector<1x16xf32>,
        %get3A_556 = vector.shape_cast %get3A_555 : vector<1x16xf32> to vector<16xf32>
        %add3A_557 = arith.addf %scan3A_525, %get3A_556 : vector<16xf32>
        %get3A_558 = arith.index_cast %scan3A_519 : i32 to index
        %get3A_559 = arith.constant 96 : index
        %get3A_560 = tpu.vector_load %arg10[%get3A_558, %get3A_559] {strides = array<i32>} : memref<50x128xf32, #tpu.memory_space<vmem>>, vector<1x16xf32>,
        %get3A_561 = vector.shape_cast %get3A_560 : vector<1x16xf32> to vector<16xf32>
        %add3A_562 = arith.addf %scan3A_526, %get3A_561 : vector<16xf32>
        %get3A_563 = arith.index_cast %scan3A_519 : i32 to index
        %get3A_564 = arith.constant 112 : index
        %get3A_565 = tpu.vector_load %arg10[%get3A_563, %get3A_564] {strides = array<i32>} : memref<50x128xf32, #tpu.memory_space<vmem>>, vector<1x16xf32>,
        %get3A_566 = vector.shape_cast %get3A_565 : vector<1x16xf32> to vector<16xf32>
        %add3A_567 = arith.addf %scan3A_527, %get3A_566 : vector<16xf32>
        scf.yield %add3A_532, %add3A_537, %add3A_542, %add3A_547, %add3A_552, %add3A_557, %add3A_562, %add3A_567 : vector<16xf32>, vector<16xf32>, vector<16xf32>, vector<16xf32>, vector<16xf32>, vector<16xf32>, vector<16xf32>, vector<16xf32>
      }
      %scan3A_434 = arith.constant 49 : i32
      %jit3A_435 = arith.constant 48 : i32
      %eq3A_436 = arith.constant 0 : i32
      %eq3A_437 = arith.cmpi eq, %jit3A_435, %eq3A_436 : i32
      %jit3A_438 = arith.constant 1 : i32
      %select_n3A_439 = arith.select %eq3A_437, %jit3A_438, %jit3A_435 : i32
      %rem3A_440 = arith.remsi %add3A_382, %select_n3A_439 : i32
      %ne3A_441 = arith.constant 0 : i32
      %ne3A_442 = arith.cmpi ne, %rem3A_440, %ne3A_441 : i32
      %lt3A_443 = arith.constant 0 : i32
      %lt3A_444 = arith.cmpi slt, %rem3A_440, %lt3A_443 : i32
      %lt3A_445 = arith.constant 0 : i32
      %lt3A_446 = arith.cmpi slt, %select_n3A_439, %lt3A_445 : i32
      %ne3A_447 = arith.xori %lt3A_444, %lt3A_446 : i1
      %and3A_448 = arith.andi %ne3A_447, %ne3A_442 : i1
      %add3A_449 = arith.addi %rem3A_440, %select_n3A_439 : i32
      %select_n3A_450 = arith.select %and3A_448, %add3A_449, %rem3A_440 : i32
      %swap3A_451 = arith.index_cast %select_n3A_450 : i32 to index
      %swap3A_452 = arith.constant 0 : index
      %swap3A_453 = tpu.vector_load %arg6[%swap3A_451, %swap3A_452] {strides = array<i32>} : memref<48x128xf32, #tpu.memory_space<vmem>>, vector<1x16xf32>,
      %swap3A_454 = vector.shape_cast %swap3A_453 : vector<1x16xf32> to vector<16xf32>
      %swap3A_455 = vector.shape_cast %scan3A_433#0 : vector<16xf32> to vector<1x16xf32>
      tpu.vector_store %arg6[%swap3A_451, %swap3A_452], %swap3A_455 {strides = array<i32>} : memref<48x128xf32, #tpu.memory_space<vmem>>, vector<1x16xf32>,
      %swap3A_456 = arith.index_cast %select_n3A_450 : i32 to index
      %swap3A_457 = arith.constant 16 : index
      %swap3A_458 = tpu.vector_load %arg6[%swap3A_456, %swap3A_457] {strides = array<i32>} : memref<48x128xf32, #tpu.memory_space<vmem>>, vector<1x16xf32>,
      %swap3A_459 = vector.shape_cast %swap3A_458 : vector<1x16xf32> to vector<16xf32>
      %swap3A_460 = vector.shape_cast %scan3A_433#1 : vector<16xf32> to vector<1x16xf32>
      tpu.vector_store %arg6[%swap3A_456, %swap3A_457], %swap3A_460 {strides = array<i32>} : memref<48x128xf32, #tpu.memory_space<vmem>>, vector<1x16xf32>,
      %swap3A_461 = arith.index_cast %select_n3A_450 : i32 to index
      %swap3A_462 = arith.constant 32 : index
      %swap3A_463 = tpu.vector_load %arg6[%swap3A_461, %swap3A_462] {strides = array<i32>} : memref<48x128xf32, #tpu.memory_space<vmem>>, vector<1x16xf32>,
      %swap3A_464 = vector.shape_cast %swap3A_463 : vector<1x16xf32> to vector<16xf32>
      %swap3A_465 = vector.shape_cast %scan3A_433#2 : vector<16xf32> to vector<1x16xf32>
      tpu.vector_store %arg6[%swap3A_461, %swap3A_462], %swap3A_465 {strides = array<i32>} : memref<48x128xf32, #tpu.memory_space<vmem>>, vector<1x16xf32>,
      %swap3A_466 = arith.index_cast %select_n3A_450 : i32 to index
      %swap3A_467 = arith.constant 48 : index
      %swap3A_468 = tpu.vector_load %arg6[%swap3A_466, %swap3A_467] {strides = array<i32>} : memref<48x128xf32, #tpu.memory_space<vmem>>, vector<1x16xf32>,
      %swap3A_469 = vector.shape_cast %swap3A_468 : vector<1x16xf32> to vector<16xf32>
      %swap3A_470 = vector.shape_cast %scan3A_433#3 : vector<16xf32> to vector<1x16xf32>
      tpu.vector_store %arg6[%swap3A_466, %swap3A_467], %swap3A_470 {strides = array<i32>} : memref<48x128xf32, #tpu.memory_space<vmem>>, vector<1x16xf32>,
      %swap3A_471 = arith.index_cast %select_n3A_450 : i32 to index
      %swap3A_472 = arith.constant 64 : index
      %swap3A_473 = tpu.vector_load %arg6[%swap3A_471, %swap3A_472] {strides = array<i32>} : memref<48x128xf32, #tpu.memory_space<vmem>>, vector<1x16xf32>,
      %swap3A_474 = vector.shape_cast %swap3A_473 : vector<1x16xf32> to vector<16xf32>
      %swap3A_475 = vector.shape_cast %scan3A_433#4 : vector<16xf32> to vector<1x16xf32>
      tpu.vector_store %arg6[%swap3A_471, %swap3A_472], %swap3A_475 {strides = array<i32>} : memref<48x128xf32, #tpu.memory_space<vmem>>, vector<1x16xf32>,
      %swap3A_476 = arith.index_cast %select_n3A_450 : i32 to index
      %swap3A_477 = arith.constant 80 : index
      %swap3A_478 = tpu.vector_load %arg6[%swap3A_476, %swap3A_477] {strides = array<i32>} : memref<48x128xf32, #tpu.memory_space<vmem>>, vector<1x16xf32>,
      %swap3A_479 = vector.shape_cast %swap3A_478 : vector<1x16xf32> to vector<16xf32>
      %swap3A_480 = vector.shape_cast %scan3A_433#5 : vector<16xf32> to vector<1x16xf32>
      tpu.vector_store %arg6[%swap3A_476, %swap3A_477], %swap3A_480 {strides = array<i32>} : memref<48x128xf32, #tpu.memory_space<vmem>>, vector<1x16xf32>,
      %swap3A_481 = arith.index_cast %select_n3A_450 : i32 to index
      %swap3A_482 = arith.constant 96 : index
      %swap3A_483 = tpu.vector_load %arg6[%swap3A_481, %swap3A_482] {strides = array<i32>} : memref<48x128xf32, #tpu.memory_space<vmem>>, vector<1x16xf32>,
      %swap3A_484 = vector.shape_cast %swap3A_483 : vector<1x16xf32> to vector<16xf32>
      %swap3A_485 = vector.shape_cast %scan3A_433#6 : vector<16xf32> to vector<1x16xf32>
      tpu.vector_store %arg6[%swap3A_481, %swap3A_482], %swap3A_485 {strides = array<i32>} : memref<48x128xf32, #tpu.memory_space<vmem>>, vector<1x16xf32>,
      %swap3A_486 = arith.index_cast %select_n3A_450 : i32 to index
      %swap3A_487 = arith.constant 112 : index
      %swap3A_488 = tpu.vector_load %arg6[%swap3A_486, %swap3A_487] {strides = array<i32>} : memref<48x128xf32, #tpu.memory_space<vmem>>, vector<1x16xf32>,
      %swap3A_489 = vector.shape_cast %swap3A_488 : vector<1x16xf32> to vector<16xf32>
      %swap3A_490 = vector.shape_cast %scan3A_433#7 : vector<16xf32> to vector<1x16xf32>
      tpu.vector_store %arg6[%swap3A_486, %swap3A_487], %swap3A_490 {strides = array<i32>} : memref<48x128xf32, #tpu.memory_space<vmem>>, vector<1x16xf32>,
      %add3A_491 = arith.constant 4 : i32
      %add3A_492 = arith.addi %add3A_382, %add3A_491 : i32
      %lt3A_493 = arith.constant 384 : i32
      %lt3A_494 = arith.cmpi slt, %add3A_492, %lt3A_493 : i32
      %convert_element_type3A_495 = arith.extui %lt3A_494 : i1 to i32
      %cond3A_496 = arith.constant 0 : i32
      %cond3A_497 = arith.cmpi ne, %convert_element_type3A_495, %cond3A_496 : i32
      scf.if %cond3A_497 {
        %add3A_519 = arith.constant 4 : i32
        %add3A_520 = arith.addi %add3A_382, %add3A_519 : i32
        %dma_start3A_521 = arith.constant 0 : i32
        %dma_start3A_522 = tpu.memref_slice %arg5[%add3A_520, %dma_start3A_521] : memref<384x50xi32, #tpu.memory_space<vmem>> -> memref<1x50xi32, #tpu.memory_space<vmem>>
        %dma_start3A_523 = tpu.memref_squeeze %dma_start3A_522 : memref<1x50xi32, #tpu.memory_space<vmem>> -> memref<50xi32, #tpu.memory_space<vmem>>
        %dma_start3A_524 = arith.constant 0 : i32
        %dma_start3A_525 = arith.constant 0 : i32
        %dma_start3A_526 = tpu.memref_slice %arg3[%dma_start3A_524, %dma_start3A_525] : memref<100000x128xf32, #tpu.memory_space<hbm>> -> memref<100000x128xf32, #tpu.memory_space<hbm>>
        tpu.enqueue_indirect_dma source(%dma_start3A_526 : memref<100000x128xf32, #tpu.memory_space<hbm>>) target(%arg10 : memref<50x128xf32, #tpu.memory_space<vmem>>) offsets(%dma_start3A_523 : memref<50xi32, #tpu.memory_space<vmem>>) semaphore(%arg14 : memref<!tpu.dma_semaphore, #tpu.memory_space<semaphore_mem>>)
      } else {
      }
      %jit3A_498 = arith.constant 12 : i32
      %eq3A_499 = arith.constant 0 : i32
      %eq3A_500 = arith.cmpi eq, %jit3A_498, %eq3A_499 : i32
      %jit3A_501 = arith.constant 1 : i32
      %select_n3A_502 = arith.select %eq3A_500, %jit3A_501, %jit3A_498 : i32
      %rem3A_503 = arith.remsi %scan3A_33, %select_n3A_502 : i32
      %ne3A_504 = arith.constant 0 : i32
      %ne3A_505 = arith.cmpi ne, %rem3A_503, %ne3A_504 : i32
      %lt3A_506 = arith.constant 0 : i32
      %lt3A_507 = arith.cmpi slt, %rem3A_503, %lt3A_506 : i32
      %lt3A_508 = arith.constant 0 : i32
      %lt3A_509 = arith.cmpi slt, %select_n3A_502, %lt3A_508 : i32
      %ne3A_510 = arith.xori %lt3A_507, %lt3A_509 : i1
      %and3A_511 = arith.andi %ne3A_510, %ne3A_505 : i1
      %add3A_512 = arith.addi %rem3A_503, %select_n3A_502 : i32
      %select_n3A_513 = arith.select %and3A_511, %add3A_512, %rem3A_503 : i32
      %eq3A_514 = arith.constant 11 : i32
      %eq3A_515 = arith.cmpi eq, %select_n3A_513, %eq3A_514 : i32
      %convert_element_type3A_516 = arith.extui %eq3A_515 : i1 to i32
      %cond3A_517 = arith.constant 0 : i32
      %cond3A_518 = arith.cmpi ne, %convert_element_type3A_516, %cond3A_517 : i32
      scf.if %cond3A_518 {
        %mul3A_519 = arith.constant 8 : i32
        %mul3A_520 = arith.muli %add3A, %mul3A_519 : i32
        %jit3A_521 = arith.constant 12 : i32
        %div3A = arith.divsi %scan3A_33, %jit3A_521 : i32
        %sign3A = arith.constant 0 : i32
        %sign3A_522 = arith.cmpi sgt, %scan3A_33, %sign3A : i32
        %sign3A_523 = arith.extui %sign3A_522 : i1 to i32
        %sign3A_524 = arith.constant 0 : i32
        %sign3A_525 = arith.cmpi slt, %scan3A_33, %sign3A_524 : i32
        %sign3A_526 = arith.extui %sign3A_525 : i1 to i32
        %sign3A_527 = arith.subi %sign3A_523, %sign3A_526 : i32
        %sign3A_528 = arith.constant 0 : i32
        %sign3A_529 = arith.cmpi sgt, %jit3A_521, %sign3A_528 : i32
        %sign3A_530 = arith.extui %sign3A_529 : i1 to i32
        %sign3A_531 = arith.constant 0 : i32
        %sign3A_532 = arith.cmpi slt, %jit3A_521, %sign3A_531 : i32
        %sign3A_533 = arith.extui %sign3A_532 : i1 to i32
        %sign3A_534 = arith.subi %sign3A_530, %sign3A_533 : i32
        %ne3A_535 = arith.cmpi ne, %sign3A_527, %sign3A_534 : i32
        %rem3A_536 = arith.remsi %scan3A_33, %jit3A_521 : i32
        %ne3A_537 = arith.constant 0 : i32
        %ne3A_538 = arith.cmpi ne, %rem3A_536, %ne3A_537 : i32
        %and3A_539 = arith.andi %ne3A_535, %ne3A_538 : i1
        %sub3A = arith.constant 1 : i32
        %sub3A_540 = arith.subi %div3A, %sub3A : i32
        %select_n3A_541 = arith.select %and3A_539, %sub3A_540, %div3A : i32
        %add3A_542 = arith.addi %mul3A_520, %select_n3A_541 : i32
        "tpu.region"() ({
          %run_scoped3A = tpu.sem_alloc : memref<!tpu.dma_semaphore, #tpu.memory_space<semaphore_mem>>
          %dma_start3A_543 = arith.constant 0 : i32
          %dma_start3A_544 = arith.constant 0 : i32
          %dma_start3A_545 = tpu.memref_slice %arg4[%add3A_542, %dma_start3A_543, %dma_start3A_544] : memref<256x48x128xf32, #tpu.memory_space<hbm>> -> memref<1x48x128xf32, #tpu.memory_space<hbm>>
          %dma_start3A_546 = tpu.memref_squeeze %dma_start3A_545 : memref<1x48x128xf32, #tpu.memory_space<hbm>> -> memref<48x128xf32, #tpu.memory_space<hbm>>
          %dma_start3A_547 = arith.constant 0 : i32
          %dma_start3A_548 = arith.constant 0 : i32
          %dma_start3A_549 = tpu.memref_slice %arg4[%add3A_542, %dma_start3A_547, %dma_start3A_548] : memref<256x48x128xf32, #tpu.memory_space<hbm>> -> memref<1x48x128xf32, #tpu.memory_space<hbm>>
          %dma_start3A_550 = tpu.memref_squeeze %dma_start3A_549 : memref<1x48x128xf32, #tpu.memory_space<hbm>> -> memref<48x128xf32, #tpu.memory_space<hbm>>
          tpu.enqueue_dma source(%arg6 : memref<48x128xf32, #tpu.memory_space<vmem>>) target(%dma_start3A_550 : memref<48x128xf32, #tpu.memory_space<hbm>>) target_semaphore(%run_scoped3A : memref<!tpu.dma_semaphore, #tpu.memory_space<semaphore_mem>>)
          %dma_wait3A_551 = arith.constant 0 : i32
          %dma_wait3A_552 = arith.constant 0 : i32
          %dma_wait3A_553 = tpu.memref_slice %arg4[%add3A_542, %dma_wait3A_551, %dma_wait3A_552] : memref<256x48x128xf32, #tpu.memory_space<hbm>> -> memref<1x48x128xf32, #tpu.memory_space<hbm>>
          %dma_wait3A_554 = tpu.memref_squeeze %dma_wait3A_553 : memref<1x48x128xf32, #tpu.memory_space<hbm>> -> memref<48x128xf32, #tpu.memory_space<hbm>>
          %dma_wait3A_555 = arith.constant 0 : i32
          %dma_wait3A_556 = arith.constant 0 : i32
          %dma_wait3A_557 = tpu.memref_slice %arg4[%add3A_542, %dma_wait3A_555, %dma_wait3A_556] : memref<256x48x128xf32, #tpu.memory_space<hbm>> -> memref<1x48x128xf32, #tpu.memory_space<hbm>>
          %dma_wait3A_558 = tpu.memref_squeeze %dma_wait3A_557 : memref<1x48x128xf32, #tpu.memory_space<hbm>> -> memref<48x128xf32, #tpu.memory_space<hbm>>
          tpu.wait_dma2 semaphore(%run_scoped3A : memref<!tpu.dma_semaphore, #tpu.memory_space<semaphore_mem>>) src(%arg6 : memref<48x128xf32, #tpu.memory_space<vmem>>) dst(%dma_wait3A_558 : memref<48x128xf32, #tpu.memory_space<hbm>>)
          tpu.yield
        }) : () -> ()
      } else {
      }
    }
    %scan3A_32 = arith.constant 96 : i32
    return
  }
}

module attributes {stable_mosaic.version = 14 : i64} {
  func.func @_tc_head_body(%arg0: i32, %arg1: memref<512x3x128xf32, #tpu.memory_space<vmem>>, %arg2: memref<512x2xi32, #tpu.memory_space<vmem>>, %arg3: memref<512x128xf32, #tpu.memory_space<vmem>>, %arg4: memref<512x128xf32, #tpu.memory_space<vmem>>, %arg5: memref<3x128xf32, #tpu.memory_space<vmem>>, %arg6: memref<4x128xf32, #tpu.memory_space<vmem>>, %arg7: memref<2x128xf32, #tpu.memory_space<vmem>>, %arg8: memref<1x256xf32, #tpu.memory_space<vmem>>, %arg9: memref<1x1xf32, #tpu.memory_space<vmem>>, %arg10: memref<512x128xf32, #tpu.memory_space<vmem>>, %arg11: memref<512x128xf32, #tpu.memory_space<vmem>>, %arg12: memref<512x128xf32, #tpu.memory_space<vmem>>, %arg13: memref<512x128xf32, #tpu.memory_space<vmem>>, %arg14: memref<512x1xf32, #tpu.memory_space<vmem>>) attributes {dimension_semantics = [#tpu.dimension_semantics<arbitrary>], iteration_bounds = array<i64: 8>, scalar_prefetch = 0 : i64, scratch_operands = 0 : i64, tpu.core_type = #tpu.core_type<tc>, window_params = [{transform_indices = @transform_0, window_bounds = array<i64: 512, 3, 128>}, {transform_indices = @transform_1, window_bounds = array<i64: 512, 2>}, {transform_indices = @transform_2, window_bounds = array<i64: 512, 128>}, {transform_indices = @transform_3, window_bounds = array<i64: 512, 128>}, {pipeline_mode = #tpu.pipeline_mode<synchronous>, transform_indices = @transform_4, window_bounds = array<i64: 3, 128>}, {pipeline_mode = #tpu.pipeline_mode<synchronous>, transform_indices = @transform_5, window_bounds = array<i64: 4, 128>}, {pipeline_mode = #tpu.pipeline_mode<synchronous>, transform_indices = @transform_6, window_bounds = array<i64: 2, 128>}, {pipeline_mode = #tpu.pipeline_mode<synchronous>, transform_indices = @transform_7, window_bounds = array<i64: 1, 256>}, {pipeline_mode = #tpu.pipeline_mode<synchronous>, transform_indices = @transform_8, window_bounds = array<i64: 1, 1>}, {transform_indices = @transform_9, window_bounds = array<i64: 512, 128>}, {transform_indices = @transform_10, window_bounds = array<i64: 512, 128>}, {transform_indices = @transform_11, window_bounds = array<i64: 512, 128>}, {transform_indices = @transform_12, window_bounds = array<i64: 512, 128>}, {transform_indices = @transform_13, window_bounds = array<i64: 512, 1>}]} {
    %get3A = arith.constant 0 : index
    %get3A_0 = arith.constant 0 : index
    %get3A_1 = vector.load %arg5[%get3A, %get3A_0] : memref<3x128xf32, #tpu.memory_space<vmem>>, vector<3x128xf32>
    %neg3A = arith.constant 0.000000e+00 : f32
    %neg3A_2 = vector.broadcast %neg3A : f32 to vector<3x128xf32>
    %neg3A_3 = arith.subf %neg3A_2, %get3A_1 : vector<3x128xf32>
    %exp3A = math.exp %neg3A_3 : vector<3x128xf32>
    %add3A = arith.constant 1.000000e+00 : f32
    %add3A_4 = vector.broadcast %add3A : f32 to vector<3x128xf32>
    %add3A_5 = arith.addf %add3A_4, %exp3A : vector<3x128xf32>
    %div3A = arith.constant 1.000000e+00 : f32
    %div3A_6 = vector.broadcast %div3A : f32 to vector<3x128xf32>
    %div3A_7 = arith.divf %div3A_6, %add3A_5 : vector<3x128xf32>
    %get3A_8 = arith.constant 0 : index
    %get3A_9 = arith.constant 0 : index
    %get3A_10 = arith.constant 0 : index
    %get3A_11 = vector.load %arg1[%get3A_8, %get3A_9, %get3A_10] : memref<512x3x128xf32, #tpu.memory_space<vmem>>, vector<512x3x128xf32>
    %slice3A = vector.extract_strided_slice %get3A_11 {offsets = [0, 0, 0], sizes = [512, 1, 128], strides = [1, 1, 1]} : vector<512x3x128xf32> to vector<512x1x128xf32>
    %squeeze3A = vector.shape_cast %slice3A : vector<512x1x128xf32> to vector<512x128xf32>
    %slice3A_12 = vector.extract_strided_slice %div3A_7 {offsets = [0, 0], sizes = [1, 128], strides = [1, 1]} : vector<3x128xf32> to vector<1x128xf32>
    %mul3A = vector.broadcast %slice3A_12 : vector<1x128xf32> to vector<512x128xf32>
    %mul3A_13 = arith.mulf %squeeze3A, %mul3A : vector<512x128xf32>
    %slice3A_14 = vector.extract_strided_slice %get3A_11 {offsets = [0, 1, 0], sizes = [512, 1, 128], strides = [1, 1, 1]} : vector<512x3x128xf32> to vector<512x1x128xf32>
    %squeeze3A_15 = vector.shape_cast %slice3A_14 : vector<512x1x128xf32> to vector<512x128xf32>
    %slice3A_16 = vector.extract_strided_slice %div3A_7 {offsets = [1, 0], sizes = [1, 128], strides = [1, 1]} : vector<3x128xf32> to vector<1x128xf32>
    %mul3A_17 = vector.broadcast %slice3A_16 : vector<1x128xf32> to vector<512x128xf32>
    %mul3A_18 = arith.mulf %squeeze3A_15, %mul3A_17 : vector<512x128xf32>
    %add3A_19 = arith.addf %mul3A_13, %mul3A_18 : vector<512x128xf32>
    %slice3A_20 = vector.extract_strided_slice %get3A_11 {offsets = [0, 2, 0], sizes = [512, 1, 128], strides = [1, 1, 1]} : vector<512x3x128xf32> to vector<512x1x128xf32>
    %squeeze3A_21 = vector.shape_cast %slice3A_20 : vector<512x1x128xf32> to vector<512x128xf32>
    %slice3A_22 = vector.extract_strided_slice %div3A_7 {offsets = [2, 0], sizes = [1, 128], strides = [1, 1]} : vector<3x128xf32> to vector<1x128xf32>
    %mul3A_23 = vector.broadcast %slice3A_22 : vector<1x128xf32> to vector<512x128xf32>
    %mul3A_24 = arith.mulf %squeeze3A_21, %mul3A_23 : vector<512x128xf32>
    %add3A_25 = arith.addf %add3A_19, %mul3A_24 : vector<512x128xf32>
    %neg3A_26 = arith.constant 0.000000e+00 : f32
    %neg3A_27 = vector.broadcast %neg3A_26 : f32 to vector<512x128xf32>
    %neg3A_28 = arith.subf %neg3A_27, %add3A_25 : vector<512x128xf32>
    %exp3A_29 = math.exp %neg3A_28 : vector<512x128xf32>
    %add3A_30 = arith.constant 1.000000e+00 : f32
    %add3A_31 = vector.broadcast %add3A_30 : f32 to vector<512x128xf32>
    %add3A_32 = arith.addf %add3A_31, %exp3A_29 : vector<512x128xf32>
    %div3A_33 = arith.constant 1.000000e+00 : f32
    %div3A_34 = vector.broadcast %div3A_33 : f32 to vector<512x128xf32>
    %div3A_35 = arith.divf %div3A_34, %add3A_32 : vector<512x128xf32>
    %get3A_36 = arith.constant 0 : index
    %get3A_37 = arith.constant 0 : index
    %get3A_38 = vector.load %arg3[%get3A_36, %get3A_37] : memref<512x128xf32, #tpu.memory_space<vmem>>, vector<512x128xf32>
    %lt3A = arith.cmpf olt, %get3A_38, %div3A_35 : vector<512x128xf32>
    %jit3A = arith.constant 1.000000e+00 : f32
    %jit3A_39 = arith.constant 0.000000e+00 : f32
    %broadcast_in_dim3A = vector.broadcast %jit3A : f32 to vector<512x128xf32>
    %broadcast_in_dim3A_40 = vector.broadcast %jit3A_39 : f32 to vector<512x128xf32>
    %select_n3A = arith.select %lt3A, %broadcast_in_dim3A, %broadcast_in_dim3A_40 : vector<512x128xi1>, vector<512x128xf32>
    %get3A_41 = arith.constant 0 : index
    %get3A_42 = arith.constant 0 : index
    %get3A_43 = vector.load %arg7[%get3A_41, %get3A_42] : memref<2x128xf32, #tpu.memory_space<vmem>>, vector<2x128xf32>
    %neg3A_44 = arith.constant 0.000000e+00 : f32
    %neg3A_45 = vector.broadcast %neg3A_44 : f32 to vector<2x128xf32>
    %neg3A_46 = arith.subf %neg3A_45, %get3A_43 : vector<2x128xf32>
    %exp3A_47 = math.exp %neg3A_46 : vector<2x128xf32>
    %add3A_48 = arith.constant 1.000000e+00 : f32
    %add3A_49 = vector.broadcast %add3A_48 : f32 to vector<2x128xf32>
    %add3A_50 = arith.addf %add3A_49, %exp3A_47 : vector<2x128xf32>
    %div3A_51 = arith.constant 1.000000e+00 : f32
    %div3A_52 = vector.broadcast %div3A_51 : f32 to vector<2x128xf32>
    %div3A_53 = arith.divf %div3A_52, %add3A_50 : vector<2x128xf32>
    %get3A_54 = arith.constant 0 : index
    %get3A_55 = arith.constant 0 : index
    %get3A_56 = vector.load %arg6[%get3A_54, %get3A_55] : memref<4x128xf32, #tpu.memory_space<vmem>>, vector<4x128xf32>
    %get3A_57 = arith.constant 0 : index
    %get3A_58 = arith.constant 0 : index
    %get3A_59 = vector.load %arg2[%get3A_57, %get3A_58] : memref<512x2xi32, #tpu.memory_space<vmem>>, vector<512x2xi32>
    %broadcast_in_dim3A_60 = arith.constant 0.000000e+00 : f32
    %broadcast_in_dim3A_61 = vector.broadcast %broadcast_in_dim3A_60 : f32 to vector<512x128xf32>
    %slice3A_62 = vector.extract_strided_slice %get3A_59 {offsets = [0, 0], sizes = [512, 1], strides = [1, 1]} : vector<512x2xi32> to vector<512x1xi32>
    %broadcast_in_dim3A_63 = arith.constant 0.000000e+00 : f32
    %broadcast_in_dim3A_64 = vector.broadcast %broadcast_in_dim3A_63 : f32 to vector<512x128xf32>
    %eq3A = arith.constant 0 : i32
    %eq3A_65 = vector.broadcast %eq3A : i32 to vector<512x1xi32>
    %eq3A_66 = arith.cmpi eq, %slice3A_62, %eq3A_65 : vector<512x1xi32>
    %jit3A_67 = arith.constant 1.000000e+00 : f32
    %jit3A_68 = arith.constant 0.000000e+00 : f32
    %broadcast_in_dim3A_69 = vector.broadcast %jit3A_67 : f32 to vector<512x1xf32>
    %broadcast_in_dim3A_70 = vector.broadcast %jit3A_68 : f32 to vector<512x1xf32>
    %select_n3A_71 = arith.select %eq3A_66, %broadcast_in_dim3A_69, %broadcast_in_dim3A_70 : vector<512x1xi1>, vector<512x1xf32>
    %slice3A_72 = vector.extract_strided_slice %get3A_56 {offsets = [0, 0], sizes = [1, 128], strides = [1, 1]} : vector<4x128xf32> to vector<1x128xf32>
    %mul3A_73 = vector.broadcast %select_n3A_71 : vector<512x1xf32> to vector<512x128xf32>
    %mul3A_74 = vector.broadcast %slice3A_72 : vector<1x128xf32> to vector<512x128xf32>
    %mul3A_75 = arith.mulf %mul3A_73, %mul3A_74 : vector<512x128xf32>
    %add3A_76 = arith.addf %broadcast_in_dim3A_64, %mul3A_75 : vector<512x128xf32>
    %eq3A_77 = arith.constant 1 : i32
    %eq3A_78 = vector.broadcast %eq3A_77 : i32 to vector<512x1xi32>
    %eq3A_79 = arith.cmpi eq, %slice3A_62, %eq3A_78 : vector<512x1xi32>
    %jit3A_80 = arith.constant 1.000000e+00 : f32
    %jit3A_81 = arith.constant 0.000000e+00 : f32
    %broadcast_in_dim3A_82 = vector.broadcast %jit3A_80 : f32 to vector<512x1xf32>
    %broadcast_in_dim3A_83 = vector.broadcast %jit3A_81 : f32 to vector<512x1xf32>
    %select_n3A_84 = arith.select %eq3A_79, %broadcast_in_dim3A_82, %broadcast_in_dim3A_83 : vector<512x1xi1>, vector<512x1xf32>
    %slice3A_85 = vector.extract_strided_slice %get3A_56 {offsets = [1, 0], sizes = [1, 128], strides = [1, 1]} : vector<4x128xf32> to vector<1x128xf32>
    %mul3A_86 = vector.broadcast %select_n3A_84 : vector<512x1xf32> to vector<512x128xf32>
    %mul3A_87 = vector.broadcast %slice3A_85 : vector<1x128xf32> to vector<512x128xf32>
    %mul3A_88 = arith.mulf %mul3A_86, %mul3A_87 : vector<512x128xf32>
    %add3A_89 = arith.addf %add3A_76, %mul3A_88 : vector<512x128xf32>
    %eq3A_90 = arith.constant 2 : i32
    %eq3A_91 = vector.broadcast %eq3A_90 : i32 to vector<512x1xi32>
    %eq3A_92 = arith.cmpi eq, %slice3A_62, %eq3A_91 : vector<512x1xi32>
    %jit3A_93 = arith.constant 1.000000e+00 : f32
    %jit3A_94 = arith.constant 0.000000e+00 : f32
    %broadcast_in_dim3A_95 = vector.broadcast %jit3A_93 : f32 to vector<512x1xf32>
    %broadcast_in_dim3A_96 = vector.broadcast %jit3A_94 : f32 to vector<512x1xf32>
    %select_n3A_97 = arith.select %eq3A_92, %broadcast_in_dim3A_95, %broadcast_in_dim3A_96 : vector<512x1xi1>, vector<512x1xf32>
    %slice3A_98 = vector.extract_strided_slice %get3A_56 {offsets = [2, 0], sizes = [1, 128], strides = [1, 1]} : vector<4x128xf32> to vector<1x128xf32>
    %mul3A_99 = vector.broadcast %select_n3A_97 : vector<512x1xf32> to vector<512x128xf32>
    %mul3A_100 = vector.broadcast %slice3A_98 : vector<1x128xf32> to vector<512x128xf32>
    %mul3A_101 = arith.mulf %mul3A_99, %mul3A_100 : vector<512x128xf32>
    %add3A_102 = arith.addf %add3A_89, %mul3A_101 : vector<512x128xf32>
    %eq3A_103 = arith.constant 3 : i32
    %eq3A_104 = vector.broadcast %eq3A_103 : i32 to vector<512x1xi32>
    %eq3A_105 = arith.cmpi eq, %slice3A_62, %eq3A_104 : vector<512x1xi32>
    %jit3A_106 = arith.constant 1.000000e+00 : f32
    %jit3A_107 = arith.constant 0.000000e+00 : f32
    %broadcast_in_dim3A_108 = vector.broadcast %jit3A_106 : f32 to vector<512x1xf32>
    %broadcast_in_dim3A_109 = vector.broadcast %jit3A_107 : f32 to vector<512x1xf32>
    %select_n3A_110 = arith.select %eq3A_105, %broadcast_in_dim3A_108, %broadcast_in_dim3A_109 : vector<512x1xi1>, vector<512x1xf32>
    %slice3A_111 = vector.extract_strided_slice %get3A_56 {offsets = [3, 0], sizes = [1, 128], strides = [1, 1]} : vector<4x128xf32> to vector<1x128xf32>
    %mul3A_112 = vector.broadcast %select_n3A_110 : vector<512x1xf32> to vector<512x128xf32>
    %mul3A_113 = vector.broadcast %slice3A_111 : vector<1x128xf32> to vector<512x128xf32>
    %mul3A_114 = arith.mulf %mul3A_112, %mul3A_113 : vector<512x128xf32>
    %add3A_115 = arith.addf %add3A_102, %mul3A_114 : vector<512x128xf32>
    %slice3A_116 = vector.extract_strided_slice %div3A_53 {offsets = [0, 0], sizes = [1, 128], strides = [1, 1]} : vector<2x128xf32> to vector<1x128xf32>
    %mul3A_117 = vector.broadcast %slice3A_116 : vector<1x128xf32> to vector<512x128xf32>
    %mul3A_118 = arith.mulf %add3A_115, %mul3A_117 : vector<512x128xf32>
    %add3A_119 = arith.addf %broadcast_in_dim3A_61, %mul3A_118 : vector<512x128xf32>
    %slice3A_120 = vector.extract_strided_slice %get3A_59 {offsets = [0, 1], sizes = [512, 1], strides = [1, 1]} : vector<512x2xi32> to vector<512x1xi32>
    %broadcast_in_dim3A_121 = arith.constant 0.000000e+00 : f32
    %broadcast_in_dim3A_122 = vector.broadcast %broadcast_in_dim3A_121 : f32 to vector<512x128xf32>
    %eq3A_123 = arith.constant 0 : i32
    %eq3A_124 = vector.broadcast %eq3A_123 : i32 to vector<512x1xi32>
    %eq3A_125 = arith.cmpi eq, %slice3A_120, %eq3A_124 : vector<512x1xi32>
    %jit3A_126 = arith.constant 1.000000e+00 : f32
    %jit3A_127 = arith.constant 0.000000e+00 : f32
    %broadcast_in_dim3A_128 = vector.broadcast %jit3A_126 : f32 to vector<512x1xf32>
    %broadcast_in_dim3A_129 = vector.broadcast %jit3A_127 : f32 to vector<512x1xf32>
    %select_n3A_130 = arith.select %eq3A_125, %broadcast_in_dim3A_128, %broadcast_in_dim3A_129 : vector<512x1xi1>, vector<512x1xf32>
    %slice3A_131 = vector.extract_strided_slice %get3A_56 {offsets = [0, 0], sizes = [1, 128], strides = [1, 1]} : vector<4x128xf32> to vector<1x128xf32>
    %mul3A_132 = vector.broadcast %select_n3A_130 : vector<512x1xf32> to vector<512x128xf32>
    %mul3A_133 = vector.broadcast %slice3A_131 : vector<1x128xf32> to vector<512x128xf32>
    %mul3A_134 = arith.mulf %mul3A_132, %mul3A_133 : vector<512x128xf32>
    %add3A_135 = arith.addf %broadcast_in_dim3A_122, %mul3A_134 : vector<512x128xf32>
    %eq3A_136 = arith.constant 1 : i32
    %eq3A_137 = vector.broadcast %eq3A_136 : i32 to vector<512x1xi32>
    %eq3A_138 = arith.cmpi eq, %slice3A_120, %eq3A_137 : vector<512x1xi32>
    %jit3A_139 = arith.constant 1.000000e+00 : f32
    %jit3A_140 = arith.constant 0.000000e+00 : f32
    %broadcast_in_dim3A_141 = vector.broadcast %jit3A_139 : f32 to vector<512x1xf32>
    %broadcast_in_dim3A_142 = vector.broadcast %jit3A_140 : f32 to vector<512x1xf32>
    %select_n3A_143 = arith.select %eq3A_138, %broadcast_in_dim3A_141, %broadcast_in_dim3A_142 : vector<512x1xi1>, vector<512x1xf32>
    %slice3A_144 = vector.extract_strided_slice %get3A_56 {offsets = [1, 0], sizes = [1, 128], strides = [1, 1]} : vector<4x128xf32> to vector<1x128xf32>
    %mul3A_145 = vector.broadcast %select_n3A_143 : vector<512x1xf32> to vector<512x128xf32>
    %mul3A_146 = vector.broadcast %slice3A_144 : vector<1x128xf32> to vector<512x128xf32>
    %mul3A_147 = arith.mulf %mul3A_145, %mul3A_146 : vector<512x128xf32>
    %add3A_148 = arith.addf %add3A_135, %mul3A_147 : vector<512x128xf32>
    %eq3A_149 = arith.constant 2 : i32
    %eq3A_150 = vector.broadcast %eq3A_149 : i32 to vector<512x1xi32>
    %eq3A_151 = arith.cmpi eq, %slice3A_120, %eq3A_150 : vector<512x1xi32>
    %jit3A_152 = arith.constant 1.000000e+00 : f32
    %jit3A_153 = arith.constant 0.000000e+00 : f32
    %broadcast_in_dim3A_154 = vector.broadcast %jit3A_152 : f32 to vector<512x1xf32>
    %broadcast_in_dim3A_155 = vector.broadcast %jit3A_153 : f32 to vector<512x1xf32>
    %select_n3A_156 = arith.select %eq3A_151, %broadcast_in_dim3A_154, %broadcast_in_dim3A_155 : vector<512x1xi1>, vector<512x1xf32>
    %slice3A_157 = vector.extract_strided_slice %get3A_56 {offsets = [2, 0], sizes = [1, 128], strides = [1, 1]} : vector<4x128xf32> to vector<1x128xf32>
    %mul3A_158 = vector.broadcast %select_n3A_156 : vector<512x1xf32> to vector<512x128xf32>
    %mul3A_159 = vector.broadcast %slice3A_157 : vector<1x128xf32> to vector<512x128xf32>
    %mul3A_160 = arith.mulf %mul3A_158, %mul3A_159 : vector<512x128xf32>
    %add3A_161 = arith.addf %add3A_148, %mul3A_160 : vector<512x128xf32>
    %eq3A_162 = arith.constant 3 : i32
    %eq3A_163 = vector.broadcast %eq3A_162 : i32 to vector<512x1xi32>
    %eq3A_164 = arith.cmpi eq, %slice3A_120, %eq3A_163 : vector<512x1xi32>
    %jit3A_165 = arith.constant 1.000000e+00 : f32
    %jit3A_166 = arith.constant 0.000000e+00 : f32
    %broadcast_in_dim3A_167 = vector.broadcast %jit3A_165 : f32 to vector<512x1xf32>
    %broadcast_in_dim3A_168 = vector.broadcast %jit3A_166 : f32 to vector<512x1xf32>
    %select_n3A_169 = arith.select %eq3A_164, %broadcast_in_dim3A_167, %broadcast_in_dim3A_168 : vector<512x1xi1>, vector<512x1xf32>
    %slice3A_170 = vector.extract_strided_slice %get3A_56 {offsets = [3, 0], sizes = [1, 128], strides = [1, 1]} : vector<4x128xf32> to vector<1x128xf32>
    %mul3A_171 = vector.broadcast %select_n3A_169 : vector<512x1xf32> to vector<512x128xf32>
    %mul3A_172 = vector.broadcast %slice3A_170 : vector<1x128xf32> to vector<512x128xf32>
    %mul3A_173 = arith.mulf %mul3A_171, %mul3A_172 : vector<512x128xf32>
    %add3A_174 = arith.addf %add3A_161, %mul3A_173 : vector<512x128xf32>
    %slice3A_175 = vector.extract_strided_slice %div3A_53 {offsets = [1, 0], sizes = [1, 128], strides = [1, 1]} : vector<2x128xf32> to vector<1x128xf32>
    %mul3A_176 = vector.broadcast %slice3A_175 : vector<1x128xf32> to vector<512x128xf32>
    %mul3A_177 = arith.mulf %add3A_174, %mul3A_176 : vector<512x128xf32>
    %add3A_178 = arith.addf %add3A_119, %mul3A_177 : vector<512x128xf32>
    %neg3A_179 = arith.constant 0.000000e+00 : f32
    %neg3A_180 = vector.broadcast %neg3A_179 : f32 to vector<512x128xf32>
    %neg3A_181 = arith.subf %neg3A_180, %add3A_178 : vector<512x128xf32>
    %exp3A_182 = math.exp %neg3A_181 : vector<512x128xf32>
    %add3A_183 = arith.constant 1.000000e+00 : f32
    %add3A_184 = vector.broadcast %add3A_183 : f32 to vector<512x128xf32>
    %add3A_185 = arith.addf %add3A_184, %exp3A_182 : vector<512x128xf32>
    %div3A_186 = arith.constant 1.000000e+00 : f32
    %div3A_187 = vector.broadcast %div3A_186 : f32 to vector<512x128xf32>
    %div3A_188 = arith.divf %div3A_187, %add3A_185 : vector<512x128xf32>
    %get3A_189 = arith.constant 0 : index
    %get3A_190 = arith.constant 0 : index
    %get3A_191 = vector.load %arg4[%get3A_189, %get3A_190] : memref<512x128xf32, #tpu.memory_space<vmem>>, vector<512x128xf32>
    %lt3A_192 = arith.cmpf olt, %get3A_191, %div3A_188 : vector<512x128xf32>
    %jit3A_193 = arith.constant 1.000000e+00 : f32
    %jit3A_194 = arith.constant 0.000000e+00 : f32
    %broadcast_in_dim3A_195 = vector.broadcast %jit3A_193 : f32 to vector<512x128xf32>
    %broadcast_in_dim3A_196 = vector.broadcast %jit3A_194 : f32 to vector<512x128xf32>
    %select_n3A_197 = arith.select %lt3A_192, %broadcast_in_dim3A_195, %broadcast_in_dim3A_196 : vector<512x128xi1>, vector<512x128xf32>
    %get3A_198 = arith.constant 0 : index
    %get3A_199 = arith.constant 0 : index
    %get3A_200 = vector.load %arg8[%get3A_198, %get3A_199] : memref<1x256xf32, #tpu.memory_space<vmem>>, vector<1x256xf32>
    %slice3A_201 = vector.extract_strided_slice %get3A_200 {offsets = [0, 0], sizes = [1, 128], strides = [1, 1]} : vector<1x256xf32> to vector<1x128xf32>
    %mul3A_202 = vector.broadcast %slice3A_201 : vector<1x128xf32> to vector<512x128xf32>
    %mul3A_203 = arith.mulf %add3A_25, %mul3A_202 : vector<512x128xf32>
    %reduce_sum3A = arith.constant dense<0.000000e+00> : vector<512xf32>
    %reduce_sum3A_204 = vector.multi_reduction <add>, %mul3A_203, %reduce_sum3A [1] : vector<512x128xf32> to vector<512xf32>
    %broadcast_in_dim3A_205 = vector.shape_cast %reduce_sum3A_204 : vector<512xf32> to vector<512x1xf32>
    %slice3A_206 = vector.extract_strided_slice %get3A_200 {offsets = [0, 128], sizes = [1, 128], strides = [1, 1]} : vector<1x256xf32> to vector<1x128xf32>
    %mul3A_207 = vector.broadcast %slice3A_206 : vector<1x128xf32> to vector<512x128xf32>
    %mul3A_208 = arith.mulf %add3A_178, %mul3A_207 : vector<512x128xf32>
    %reduce_sum3A_209 = arith.constant dense<0.000000e+00> : vector<512xf32>
    %reduce_sum3A_210 = vector.multi_reduction <add>, %mul3A_208, %reduce_sum3A_209 [1] : vector<512x128xf32> to vector<512xf32>
    %broadcast_in_dim3A_211 = vector.shape_cast %reduce_sum3A_210 : vector<512xf32> to vector<512x1xf32>
    %add3A_212 = arith.addf %broadcast_in_dim3A_205, %broadcast_in_dim3A_211 : vector<512x1xf32>
    %get3A_213 = arith.constant 0 : index
    %get3A_214 = arith.constant 0 : index
    %get3A_215 = vector.load %arg9[%get3A_213, %get3A_214] : memref<1x1xf32, #tpu.memory_space<vmem>>, vector<1x1xf32>
    %get3A_216 = vector.extract %get3A_215[0, 0] : f32 from vector<1x1xf32>
    %add3A_217 = vector.broadcast %get3A_216 : f32 to vector<512x1xf32>
    %add3A_218 = arith.addf %add3A_212, %add3A_217 : vector<512x1xf32>
    %swap3A = arith.constant 0 : index
    %swap3A_219 = arith.constant 0 : index
    %swap3A_220 = vector.load %arg10[%swap3A, %swap3A_219] : memref<512x128xf32, #tpu.memory_space<vmem>>, vector<512x128xf32>
    tpu.vector_store %arg10[%swap3A, %swap3A_219], %select_n3A {strides = array<i32>} : memref<512x128xf32, #tpu.memory_space<vmem>>, vector<512x128xf32>,
    %swap3A_221 = arith.constant 0 : index
    %swap3A_222 = arith.constant 0 : index
    %swap3A_223 = vector.load %arg11[%swap3A_221, %swap3A_222] : memref<512x128xf32, #tpu.memory_space<vmem>>, vector<512x128xf32>
    tpu.vector_store %arg11[%swap3A_221, %swap3A_222], %select_n3A_197 {strides = array<i32>} : memref<512x128xf32, #tpu.memory_space<vmem>>, vector<512x128xf32>,
    %swap3A_224 = arith.constant 0 : index
    %swap3A_225 = arith.constant 0 : index
    %swap3A_226 = vector.load %arg12[%swap3A_224, %swap3A_225] : memref<512x128xf32, #tpu.memory_space<vmem>>, vector<512x128xf32>
    tpu.vector_store %arg12[%swap3A_224, %swap3A_225], %div3A_35 {strides = array<i32>} : memref<512x128xf32, #tpu.memory_space<vmem>>, vector<512x128xf32>,
    %swap3A_227 = arith.constant 0 : index
    %swap3A_228 = arith.constant 0 : index
    %swap3A_229 = vector.load %arg13[%swap3A_227, %swap3A_228] : memref<512x128xf32, #tpu.memory_space<vmem>>, vector<512x128xf32>
    tpu.vector_store %arg13[%swap3A_227, %swap3A_228], %div3A_188 {strides = array<i32>} : memref<512x128xf32, #tpu.memory_space<vmem>>, vector<512x128xf32>,
    %swap3A_230 = arith.constant 0 : index
    %swap3A_231 = arith.constant 0 : index
    %swap3A_232 = vector.load %arg14[%swap3A_230, %swap3A_231] : memref<512x1xf32, #tpu.memory_space<vmem>>, vector<512x1xf32>
    tpu.vector_store %arg14[%swap3A_230, %swap3A_231], %add3A_218 {strides = array<i32>} : memref<512x1xf32, #tpu.memory_space<vmem>>, vector<512x1xf32>,
    return
  }
  func.func @transform_0(%arg0: i32) -> (i32, i32, i32) {
    %c0_i32 = arith.constant 0 : i32
    %c0_i32_0 = arith.constant 0 : i32
    %c0_i32_1 = arith.constant 0 : i32
    return %arg0, %c0_i32, %c0_i32_0 : i32, i32, i32
  }
  func.func @transform_1(%arg0: i32) -> (i32, i32) {
    %c0_i32 = arith.constant 0 : i32
    %c0_i32_0 = arith.constant 0 : i32
    return %arg0, %c0_i32 : i32, i32
  }
  func.func @transform_2(%arg0: i32) -> (i32, i32) {
    %c0_i32 = arith.constant 0 : i32
    %c0_i32_0 = arith.constant 0 : i32
    return %arg0, %c0_i32 : i32, i32
  }
  func.func @transform_3(%arg0: i32) -> (i32, i32) {
    %c0_i32 = arith.constant 0 : i32
    %c0_i32_0 = arith.constant 0 : i32
    return %arg0, %c0_i32 : i32, i32
  }
  func.func @transform_4(%arg0: i32) -> (i32, i32) {
    %c0_i32 = arith.constant 0 : i32
    %c0_i32_0 = arith.constant 0 : i32
    %c0_i32_1 = arith.constant 0 : i32
    return %c0_i32, %c0_i32_0 : i32, i32
  }
  func.func @transform_5(%arg0: i32) -> (i32, i32) {
    %c0_i32 = arith.constant 0 : i32
    %c0_i32_0 = arith.constant 0 : i32
    %c0_i32_1 = arith.constant 0 : i32
    return %c0_i32, %c0_i32_0 : i32, i32
  }
  func.func @transform_6(%arg0: i32) -> (i32, i32) {
    %c0_i32 = arith.constant 0 : i32
    %c0_i32_0 = arith.constant 0 : i32
    %c0_i32_1 = arith.constant 0 : i32
    return %c0_i32, %c0_i32_0 : i32, i32
  }
  func.func @transform_7(%arg0: i32) -> (i32, i32) {
    %c0_i32 = arith.constant 0 : i32
    %c0_i32_0 = arith.constant 0 : i32
    %c0_i32_1 = arith.constant 0 : i32
    return %c0_i32, %c0_i32_0 : i32, i32
  }
  func.func @transform_8(%arg0: i32) -> (i32, i32) {
    %c0_i32 = arith.constant 0 : i32
    %c0_i32_0 = arith.constant 0 : i32
    %c0_i32_1 = arith.constant 0 : i32
    return %c0_i32, %c0_i32_0 : i32, i32
  }
  func.func @transform_9(%arg0: i32) -> (i32, i32) {
    %c0_i32 = arith.constant 0 : i32
    %c0_i32_0 = arith.constant 0 : i32
    return %arg0, %c0_i32 : i32, i32
  }
  func.func @transform_10(%arg0: i32) -> (i32, i32) {
    %c0_i32 = arith.constant 0 : i32
    %c0_i32_0 = arith.constant 0 : i32
    return %arg0, %c0_i32 : i32, i32
  }
  func.func @transform_11(%arg0: i32) -> (i32, i32) {
    %c0_i32 = arith.constant 0 : i32
    %c0_i32_0 = arith.constant 0 : i32
    return %arg0, %c0_i32 : i32, i32
  }
  func.func @transform_12(%arg0: i32) -> (i32, i32) {
    %c0_i32 = arith.constant 0 : i32
    %c0_i32_0 = arith.constant 0 : i32
    return %arg0, %c0_i32 : i32, i32
  }
  func.func @transform_13(%arg0: i32) -> (i32, i32) {
    %c0_i32 = arith.constant 0 : i32
    %c0_i32_0 = arith.constant 0 : i32
    return %arg0, %c0_i32 : i32, i32
  }
}

</mosaic_0001>

<sc_bundles>
// kernel: kernel.4.cloned.1.call-start
scs
__scs_entry_jumppad:
0x0: {  	(pc) =	sbr.rel $0x88, $3  }
0x1: {  	(tag) =	ssettag $0x0;
	lr =	simm.s32 $0x1  }
0x2: {  	[smem:$0x3F99] =	sst lr;
	_ =	strace $0xD0000000  }
0x3: {  	_ = 	snop  }
0x4: {  	_ = 	snop  }
0x5: {  	_ = 	snop  }
0x6: {  	_ = 	snop  }
0x7: {  	_ = 	snop  }
__scs_overlays_trampoline_lowered:
0x8: {  	[smem:$0x3FA8] =	sst s0  }
0x9: {  	[smem:$0x3FA9] =	sst s1  }
0xa: {  	[smem:$0x3FAA] =	sst s2  }
0xb: {  	[smem:$0x3FAB] =	sst s3  }
0xc: {  	[smem:$0x3FAC] =	sst s4  }
0xd: {  	[smem:$0x3FAD] =	sst s5  }
0xe: {  	[smem:$0x3FAE] =	sst s6  }
0xf: {  	[smem:$0x3FAF] =	sst s7  }
0x10: {  	[smem:$0x3FB0] =	sst s8  }
0x11: {  	[smem:$0x3FB1] =	sst s9;
	s0 =	simm.s32 @!p0 $0x0  }
0x12: {  	s1 =	sld [smem:$0x3F97];
	s0 =	simm.s32 @p0 $0x1  }
0x13: {  	[smem:$0x3FB2] =	sst s0;
	s0 =	simm.s32 @!p1 $0x0  }
0x14: {  	s2 =	sld [smem:$0x3F96];
	s0 =	simm.s32 @p1 $0x1  }
0x15: {  	[smem:$0x3FB3] =	sst s0;
	s0 =	simm.s32 @!p2 $0x0  }
0x16: {  	s3 =	sld [smem:$0x3FDB];
	s0 =	simm.s32 @p2 $0x1  }
0x17: {  	s4 =	simm.s32 $0x1BF5;
	[smem:$0x3FB5] =	sst s0  }
0x18: {  	s0 =	sld [smem:$0x3F98];
	_ =	swait.ge [sflag:s4], $0x0  }
0x19: {  	s7 =	sld [smem:$0x3F99]  }
0x1a: {  	s8 =	sadd.s32 $0xFFFFE003, lr  }
0x1b: {  	s9 =	sadd.s32 $0xFFFFFEF7, lr;
	s5 =	simm.s32 $0xFFFFFFFF;
	p2 =	slt.u32 s8, $0xFFFFF086  }
0x1c: {  	p1 =	slt.u32 s9, $0xF7A;
	s5 =	simm.s32 @!p2 $0x0  }
0x1d: {  	s5 =	simm.s32 @p1 $0x1;
	p0 =	seq.s32 s7, s2  }
0x1e: {  	s7 =	smul.u32 @!p0 $0xF7A, s2;
	p2 =	seq.s32 @!p0 s5, $0x0  }
0x1f: {  	s9 =	smul.u32 $0xF7A, s1;
	s8 =	simm.s32 @!p0 $0x1BF5;
	p2 =	por !p2, p0  }
0x20: {  	[sflag:s8] =	ssyncset.s32 @!p0 $0xFFFFF086;
	s6 =	sadd.s32 @!p0 s3, s7;
	s7 =	simm.s32 @!p0 $0x108  }
0x21: {  	s3 =	sadd.s32 s3, s9;
	s6 =	sadd.s32 @!p0 $0x88, s6;
	s7 =	simm.s32 @p2 $0x1082  }
0x22: {  	[simem:s7], [sflag:s8] =	dma.local @!p0 [hbm:s6], $0xF7A  }
0x23: {  	s9 =	sor.u32 $0xD0000000, s2;
	s6 =	simm.s32 $0x108;
	_ =	swait.ge @!p0 [sflag:s8], $0x0  }
0x24: {  	s3 =	sadd.s32 $0x88, s3;
	s6 =	simm.s32 @!p1 $0x1082;
	[sflag:s4] =	ssyncset.s32 $0xFFFFF086  }
0x25: {  	[simem:s6], [sflag:s4] =	dma.local [hbm:s3], $0xF7A  }
0x26: {  	[smem:$0x3F99] =	sst s1;
	(tag) =	ssettag s2;
	_ =	strace s9  }
0x27: {  	s1 =	sld [smem:$0x3FA9]  }
0x28: {  	s2 =	sld [smem:$0x3FAA]  }
0x29: {  	s4 =	sld [smem:$0x3FAC]  }
0x2a: {  	p0 =	seq.s32 s5, $0x0;
	s5 =	sld [smem:$0x3FAD]  }
0x2b: {  	s6 =	sld [smem:$0x3FAE]  }
0x2c: {  	s7 =	sld [smem:$0x3FAF]  }
0x2d: {  	s3 =	simm.s32 $0x108;
	s8 =	sld [smem:$0x3FB0]  }
0x2e: {  	s3 =	simm.s32 @!p0 $0x1082;
	s9 =	sld [smem:$0x3FB1]  }
0x2f: {  	lr =	sadd.s32 s0, s3;
	s0 =	sld [smem:$0x3FA8]  }
0x30: {  	s3 =	sld [smem:$0x3FAB]  }
0x31: {  	[smem:$0x3FB4] =	sst s10  }
0x32: {  	s10 =	sld [smem:$0x3FB2];
	_ =	sdelay $0x3  }
0x33: {  	p0 =	seq.s32 s10, $0x1;
	s10 =	sld [smem:$0x3FB4];
	_ =	sdelay $0x3  }
0x34: {  	[smem:$0x3FB4] =	sst s10  }
0x35: {  	s10 =	sld [smem:$0x3FB3];
	_ =	sdelay $0x3  }
0x36: {  	p1 =	seq.s32 s10, $0x1;
	s10 =	sld [smem:$0x3FB4];
	_ =	sdelay $0x3  }
0x37: {  	[smem:$0x3FB4] =	sst s10  }
0x38: {  	s10 =	sld [smem:$0x3FB5]  }
0x39: {  	_ = 	snop;
	(pc) =	sbr.ind lr, $3  }
0x3a: {  	_ = 	snop  }
0x3b: {  	_ = 	snop  }
0x3c: {  	p2 =	seq.s32 s10, $0x1;
	s10 =	sld [smem:$0x3FB4]  }
0x3d: {  	_ =	shalt  }
0x3e: {  	_ =	shalt  }
0x3f: {  	_ =	shalt  }
0x40: {  	_ =	shalt  }
0x41: {  	_ =	shalt  }
0x42: {  	_ =	shalt  }
0x43: {  	_ =	shalt  }
0x44: {  	_ =	shalt  }
0x45: {  	_ =	shalt  }
0x46: {  	_ =	shalt  }
0x47: {  	_ =	shalt  }
0x48: {  	_ =	shalt  }
0x49: {  	_ =	shalt  }
0x4a: {  	_ =	shalt  }
0x4b: {  	_ =	shalt  }
0x4c: {  	_ =	shalt  }
0x4d: {  	_ =	shalt  }
0x4e: {  	_ =	shalt  }
0x4f: {  	_ =	shalt  }
0x50: {  	_ =	shalt  }
0x51: {  	_ =	shalt  }
0x52: {  	_ =	shalt  }
0x53: {  	_ =	shalt  }
0x54: {  	_ =	shalt  }
0x55: {  	_ =	shalt  }
0x56: {  	_ =	shalt  }
0x57: {  	_ =	shalt  }
0x58: {  	_ =	shalt  }
0x59: {  	_ =	shalt  }
0x5a: {  	_ =	shalt  }
0x5b: {  	_ =	shalt  }
0x5c: {  	_ =	shalt  }
0x5d: {  	_ =	shalt  }
0x5e: {  	_ =	shalt  }
0x5f: {  	_ =	shalt  }
0x60: {  	_ =	shalt  }
0x61: {  	_ =	shalt  }
0x62: {  	_ =	shalt  }
0x63: {  	_ =	shalt  }
0x64: {  	_ =	shalt  }
0x65: {  	_ =	shalt  }
0x66: {  	_ =	shalt  }
0x67: {  	_ =	shalt  }
0x68: {  	_ =	shalt  }
0x69: {  	_ =	shalt  }
0x6a: {  	_ =	shalt  }
0x6b: {  	_ =	shalt  }
0x6c: {  	_ =	shalt  }
0x6d: {  	_ =	shalt  }
0x6e: {  	_ =	shalt  }
0x6f: {  	_ =	shalt  }
0x70: {  	_ =	shalt  }
0x71: {  	_ =	shalt  }
0x72: {  	_ =	shalt  }
0x73: {  	_ =	shalt  }
0x74: {  	_ =	shalt  }
0x75: {  	_ =	shalt  }
0x76: {  	_ =	shalt  }
0x77: {  	_ =	shalt  }
0x78: {  	_ =	shalt  }
0x79: {  	_ =	shalt  }
0x7a: {  	_ =	shalt  }
0x7b: {  	_ =	shalt  }
0x7c: {  	_ =	shalt  }
0x7d: {  	_ =	shalt  }
0x7e: {  	_ =	shalt  }
0x7f: {  	_ =	shalt  }
0x80: {  	_ =	shalt  }
0x81: {  	_ =	shalt  }
0x82: {  	_ =	shalt  }
0x83: {  	_ =	shalt  }
0x84: {  	_ =	shalt  }
0x85: {  	_ =	shalt  }
0x86: {  	_ =	shalt  }
0x87: {  	_ =	shalt  }
.Lfunc_end0:
.L_simem_size_0:
called_computation_lowered:
.L_overlay_start_0:
0x88: {  	s2 =	sld [smem:$0x3FD9]  }
0x89: {  	s3 =	sld [smem:$0x3FFE];
	_ =	sdelay $0x1  }
0x8a: {  	s1 =	srdreg.scid  }
0x8b: {  	s0 =	sand.u32 $0x1, s1  }
0x8c: {  	s17 =	sshll.u32 s0, $0xA;
	s2 =	sadd.s32 s3, s2  }
0x8d: {  	s2 =	sadd.s32 s2, s17  }
0x8e: {  	[smem:$0x3FC0] =	sst s2  }
0x8f: {  	_ = 	snop  }
0x90: {  	s2 =	sld [smem:$0x3FC7];
	(tm) =	ssettm $0x1  }
0x91: {  	s18 =	sld [smem:$0x3FFB];
	_ =	sdelay $0x3  }
0x92: {  	_ =	strace s18  }
0x93: {  	s3 =	sld [smem:$0x3FFC];
	_ =	sdelay $0x3  }
0x94: {  	_ =	strace s3  }
0x95: {  	s3 =	sld [smem:$0x3FFD];
	_ =	sdelay $0x3  }
0x96: {  	_ =	strace s3  }
0x97: {  	_ =	strace $0x8FFFFFFF  }
0x98: {  	s19 =	sld [smem:$0x3FDB];
	_ =	sdelay $0x1  }
0x99: {  	s4 =	simm.s32 $_scs_section_size  }
0x9a: {  	s5 =	simm.s32 $_size__tile_overlayer_lowered;
	s6 =	simm.s32 $_tile_overlayer_lowered  }
0x9b: {  	s22 =	simm.s32 $0x1BFF;
	s21 =	sshll.u32 s6, $0x1;
	s3 =	sadd.s32 s4, s19  }
0x9c: {  	s7 =	simm.s32 $0x0;
	s20 =	sshll.u32 s5, $0x1;
	s5 =	sadd.s32 s21, s3  }
0x9d: {  	[timem:s7], [sflag:s22] =	dma.local [hbm:s5], s20  }
0x9e: {  	_ =	swait.ge [sflag:s22], s20  }
0x9f: {  	s4 =	ssub.s32 $0x0, s20;
	[sflag:s22] =	ssyncset.done $0x0  }
0xa0: {  	[sflag:s22] =	ssyncadd.s32 s4;
	_ =	sdelay $0x1  }
0xa1: {  	s23 =	simm.s32 $0x1B8B  }
0xa2: {  	_ =	swait.ge [sflag:s23], $0x1  }
0xa3: {  	[sflag:s23] =	ssyncset.done $0x0  }
0xa4: {  	s25 =	simm.s32 $0x1B8E;
	s24 =	sld [smem:$0x3FFE];
	[sflag:s23] =	ssyncadd.s32 $0xFFFFFFFF  }
0xa5: {  	s26 =	simm.s32 $execute0_lowered;
	[smem:$0x3FD2] =	sst s25  }
0xa6: {  	s5 =	sshll.u32 s26, $0x1;
	_ =	strace $0x80000046;
	[dreg:$0x1] =	wrdreg $0xFFFFFFFF  }
0xa7: {  	s28 =	simm.s32 $_size_execute0_lowered;
	s3 =	sadd.s32 s3, s5;
	[dreg:$0x0] =	wrdreg $0x0  }
0xa8: {  	s5 =	sshll.u32 s28, $0x1;
	[dreg:$0x2] =	wrdreg s3  }
0xa9: {  	[dreg:$0x3] =	wrdreg s5  }
0xaa: {  	[dreg:$0x4] =	wrdreg $0xC0  }
0xab: {  	_ =	task [dreg:s7], $0x5FFFF  }
0xac: {  	[dreg:$0x1] =	wrdreg $0xFFFFFFFF  }
0xad: {  	[dreg:$0x0] =	wrdreg $0x60  }
0xae: {  	[dreg:$0x2] =	wrdreg s24  }
0xaf: {  	[dreg:$0x3] =	wrdreg s2  }
0xb0: {  	[dreg:$0x4] =	wrdreg $0x9  }
0xb1: {  	_ =	task.clear_ibuf [dreg:s7], $0x5FFFF;
	_ =	strace $0x90000046  }
0xb2: {  	s29 =	simm.s32 $0x9;
	_ =	strace $0x80000048  }
0xb3: {  	_ =	swait.ge [sflag:s29], $0x1  }
0xb4: {  	[sflag:s29] =	ssyncadd.s32 $0xFFFFFFFF  }
0xb5: {  	_ =	strace $0x90000048  }
0xb6: {  	_ =	sfence  }
0xb7: {  	s30 =	sld [smem:$0x0];
	_ =	sdelay $0x2  }
0xb8: {  	s31 =	sshll.u32 s1, $0xD;
	s1 =	sshrl.u32 s1, $0x2  }
0xb9: {  	s3 =	sand.u32 $0x4000, s31;
	s1 =	sadd.s32 s1, s30  }
0xba: {  	s0 =	sor.u32 s3, s0;
	s1 =	sshll.u32 s1, $0x11  }
0xbb: {  	s0 =	sor.u32 s1, s0  }
0xbc: {  	s0 =	sadd.s32 $0x8F2B, s0  }
0xbd: {  	[sflag:s0] =	ssyncadd.remote.s32 $0x1  }
0xbe: {  	_ =	sfence.sel $0xFFFF  }
0xbf: {  	[dreg:$0x0] =	wrdreg $0xFFFFFFFF;
	(pc) =	sbr.abs _section_cstart, $3  }
0xc0: {  	[dreg:$0x1] =	wrdreg $0xFFFFFFFF  }
0xc1: {  	_ =	task.clear_ibuf [dreg:s7], $0x2FFFF;
	_ =	strace $0x9FFFFFFF  }
0xc2: {  	(tm) =	ssettm $0x7FFFFFFF  }
0xc3: {  	_ =	shalt  }
tec
execute0_lowered:
.L_overlay_start_1:
0x0: {  	(tag) =	ssettag $0x1  }
0x1: {  	s4 =	rddreg [dreg:$0x0];
	s1 =	srdreg.scid  }
0x2: {  	s0 =	stileid.u32;
	s2 =	rddreg [dreg:$0x1];
	s3 =	simm.s32 $0x0  }
0x3: {  	s9 =	simm.s32 $0x32;
	s10 =	simm.s32 $0xD800;
	s11 =	simm.s32 $0x80  }
0x4: {  	s12 =	simm.s32 $0xF400;
	s13 =	simm.s32 $0x100;
	s14 =	simm.s32 $0x11000  }
0x5: {  	s15 =	simm.s32 $0x180;
	s16 =	simm.s32 $0x12C00;
	s17 =	simm.s32 $0x1  }
0x6: {  	s18 =	simm.s32 $0x2;
	s19 =	simm.s32 $0x3;
	s20 =	simm.s32 $0x4  }
0x7: {  	s21 =	simm.s32 $0xC000;
	s5 =	sand.u32 $0x1, s1;
	s6 =	sshll.u32 s0, $0x1  }
0x8: {  	s22 =	simm.s32 $0x0;
	s1 =	rddreg [dreg:$0x2];
	s6 =	sor.u32 s5, s6  }
0x9: {  	[smem:$0x7FF] =	sst s3;
	s5 =	ssub.s32 $0x2, s5;
	s7 =	smul.u32 $0x1800, s6  }
0xa: {  	_ =	strace $0x80000047;
	s8 =	sshrl.u32 s5, $0x1;
	s6 =	sshll.u32 s6, $0x3  }
0xb: {  	s8 =	ssub.s32 s5, s8;
	s7 =	sadd.s32 s7, s4;
	s4 =	sadd.s32 $0x31800, s4  }
0xc: {  	s5 =	sadd.s32 $0x1800, s7;
	s7 =	smax.u32 s8, $0x1;
	s8 =	simm.s32 $0x5  }
.LBB2_1:
0xd: {  	[tilespmem:s3], [sflag:$0x5] =	stream.linear.gather [hbm4b:s5+s3], $0xC000, $0x38;
	[tilespmem:$0x14800] =	vst v63  }
0xe: {  	_ =	swait.ge [sflag:s8], $0xC000  }
0xf: {  	[sflag:s8] =	ssyncset.done $0x0  }
0x10: {  	[sflag:s8] =	ssyncadd.s32 $0xFFFF4000  }
0x11: {  	[tilespmem:s10], [sflag:$0x1] =	stream.indirect.gather [hbm4b:s2+s9], $0x80, s3, s9, $0xb8;
	[tilespmem:$0x14800] =	vst v63  }
0x12: {  	_ = 	snop  }
0x13: {  	[tilespmem:s12], [sflag:$0x2] =	stream.indirect.gather [hbm4b:s2+s9], $0x80, s11, s9, $0xb8;
	[tilespmem:$0x14800] =	vst v63  }
0x14: {  	_ = 	snop  }
0x15: {  	[tilespmem:s14], [sflag:$0x3] =	stream.indirect.gather [hbm4b:s2+s9], $0x80, s13, s9, $0xb8;
	[tilespmem:$0x14800] =	vst v63  }
0x16: {  	s23 =	simm.s32 $0x0  }
0x17: {  	[tilespmem:s16], [sflag:$0x4] =	stream.indirect.gather [hbm4b:s2+s9], $0x80, s15, s9, $0xb8;
	[tilespmem:$0x14800] =	vst v63  }
.LBB2_2:
0x18: {  	_ =	swait.ge [sflag:s17], $0x1900  }
0x19: {  	[sflag:s17] =	ssyncset.done $0x0  }
0x1a: {  	[sflag:s17] =	ssyncadd.s32 $0xFFFFE700  }
0x1b: {  	v8 =	vld [tilespmem:$0xD800]  }
0x1c: {  	v9 =	vld [tilespmem:$0xD810]  }
0x1d: {  	v5 =	vld [tilespmem:$0xD820]  }
0x1e: {  	v4 =	vld [tilespmem:$0xD830]  }
0x1f: {  	v3 =	vld [tilespmem:$0xD840]  }
0x20: {  	v2 =	vld [tilespmem:$0xD850]  }
0x21: {  	v1 =	vld [tilespmem:$0xD860]  }
0x22: {  	s26 =	simm.s32 $0xF0;
	v0 =	vld [tilespmem:$0xD870]  }
0x23: {  	v6 =	vld [tilespmem:s26+$0xD800]  }
0x24: {  	v10 =	vld [tilespmem:s26+$0xD790]  }
0x25: {  	v13 =	vld [tilespmem:s26+$0xD7A0]  }
0x26: {  	v12 =	vld [tilespmem:s26+$0xD7B0]  }
0x27: {  	v11 =	vld [tilespmem:s26+$0xD7C0]  }
0x28: {  	v7 =	vld [tilespmem:s26+$0xD7D0]  }
0x29: {  	v0 =	vadd.f32 v6, v0;
	v6 =	vld [tilespmem:s26+$0xD7E0]  }
0x2a: {  	s25 =	simm.s32 $0x170;
	s24 =	simm.s32 $0x7C0;
	v10 =	vadd.f32 v10, v8;
	v9 =	vadd.f32 v13, v9;
	v8 =	vld [tilespmem:s26+$0xD7F0]  }
.LBB2_3:
0x2b: {  	p0 =	sne.s32 s24, $0x63C0;
	v13 =	vld [tilespmem:s25+$0xD800];
	v5 =	vadd.f32 v12, v5  }
0x2c: {  	v14 =	vld [tilespmem:s25+$0xD790];
	v4 =	vadd.f32 v11, v4  }
0x2d: {  	v15 =	vld [tilespmem:s25+$0xD7A0];
	v3 =	vadd.f32 v7, v3  }
.Ltmp0:
0x2e: {  	v12 =	vld [tilespmem:s25+$0xD7B0];
	v2 =	vadd.f32 v6, v2;
	(pc) =	sbr.rel @p0 .LBB2_3-.Ltmp0, $4  }
0x2f: {  	v11 =	vld [tilespmem:s25+$0xD7C0];
	v1 =	vadd.f32 v8, v1  }
0x30: {  	v7 =	vld [tilespmem:s25+$0xD7D0];
	v0 =	vadd.f32 v13, v0  }
0x31: {  	v10 =	vadd.f32 v14, v10;
	v6 =	vld [tilespmem:s25+$0xD7E0]  }
0x32: {  	v9 =	vadd.f32 v15, v9;
	v8 =	vld [tilespmem:s25+$0xD7F0];
	s25 =	sshra.s32 s24, $0x2;
	s24 =	sadd.s32 $0x200, s24  }
0x33: {  	s24 =	sshll.u32 s23, $0x2  }
0x34: {  	s26 =	smulhi.u32 $0x2AAAAAAB, s24  }
0x35: {  	v14 =	vld [tilespmem:s25+$0xD790]  }
0x36: {  	v15 =	vld [tilespmem:s25+$0xD7A0];
	s26 =	sshrl.u32 s26, $0x3  }
0x37: {  	v16 =	vld [tilespmem:s25+$0xD7B0];
	s26 =	smul.u32 $0x30, s26  }
0x38: {  	v17 =	vld [tilespmem:s25+$0xD7C0]  }
0x39: {  	v18 =	vld [tilespmem:s25+$0xD7D0];
	s26 =	ssub.s32 s24, s26  }
0x3a: {  	v5 =	vadd.f32 v12, v5;
	v12 =	vld [tilespmem:s25+$0xD7E0];
	v10 =	vadd.f32 v14, v10;
	s26 =	sshll.u32 s26, $0x7  }
0x3b: {  	v4 =	vadd.f32 v11, v4;
	v11 =	vld [tilespmem:s25+$0xD7F0];
	v9 =	vadd.f32 v15, v9;
	s30 =	sor.u32 $0xC000, s26  }
0x3c: {  	v13 =	vld [tilespmem:s25+$0xD800];
	v3 =	vadd.f32 v7, v3;
	v5 =	vadd.f32 v16, v5;
	s31 =	sor.u32 $0xC010, s26;
	[tilespmem:s30+$0x0] =	vst v10  }
0x3d: {  	v2 =	vadd.f32 v6, v2;
	v4 =	vadd.f32 v17, v4;
	s29 =	sor.u32 $0xC020, s26;
	[tilespmem:s31+$0x0] =	vst v9  }
0x3e: {  	v1 =	vadd.f32 v8, v1;
	v3 =	vadd.f32 v18, v3;
	s30 =	sor.u32 $0xC030, s26;
	[tilespmem:s29+$0x0] =	vst v5  }
0x3f: {  	v2 =	vadd.f32 v12, v2;
	s31 =	sor.u32 $0xC040, s26;
	[tilespmem:s30+$0x0] =	vst v4  }
0x40: {  	p0 =	seq.s32 s23, $0x5F;
	v1 =	vadd.f32 v11, v1;
	s29 =	sor.u32 $0xC050, s26;
	[tilespmem:s31+$0x0] =	vst v3  }
0x41: {  	s28 =	sshll.u32 @!p0 s23, $0x9;
	v0 =	vadd.f32 v13, v0;
	s30 =	sor.u32 $0xC060, s26;
	[tilespmem:s29+$0x0] =	vst v2  }
0x42: {  	s25 =	sand.u32 @!p0 $0x3FFFFE00, s28;
	s26 =	sor.u32 $0xC070, s26;
	[tilespmem:s30+$0x0] =	vst v1  }
0x43: {  	s28 =	simm.s32 @!p0 $0x32;
	s29 =	simm.s32 @!p0 $0xD800;
	[tilespmem:s26+$0x0] =	vst v0;
	s26 =	sadd.s32 @!p0 $0x200, s25  }
0x44: {  	[tilespmem:s29], [sflag:$0x1] =	stream.indirect.gather @!p0 [hbm4b:s2+s28], $0x80, s26, s28, $0xb8;
	[tilespmem:$0x14800] =	vst v63  }
0x45: {  	_ =	swait.ge [sflag:s18], $0x1900  }
0x46: {  	[sflag:s18] =	ssyncset.done $0x0  }
0x47: {  	[sflag:s18] =	ssyncadd.s32 $0xFFFFE700  }
0x48: {  	v8 =	vld [tilespmem:$0xF400]  }
0x49: {  	v9 =	vld [tilespmem:$0xF410]  }
0x4a: {  	v5 =	vld [tilespmem:$0xF420]  }
0x4b: {  	v4 =	vld [tilespmem:$0xF430]  }
0x4c: {  	v3 =	vld [tilespmem:$0xF440]  }
0x4d: {  	v2 =	vld [tilespmem:$0xF450]  }
0x4e: {  	v1 =	vld [tilespmem:$0xF460]  }
0x4f: {  	s31 =	simm.s32 $0xF0;
	v0 =	vld [tilespmem:$0xF470]  }
0x50: {  	v6 =	vld [tilespmem:s31+$0xF400]  }
0x51: {  	v10 =	vld [tilespmem:s31+$0xF390]  }
0x52: {  	v13 =	vld [tilespmem:s31+$0xF3A0]  }
0x53: {  	v12 =	vld [tilespmem:s31+$0xF3B0]  }
0x54: {  	v11 =	vld [tilespmem:s31+$0xF3C0]  }
0x55: {  	v7 =	vld [tilespmem:s31+$0xF3D0]  }
0x56: {  	v0 =	vadd.f32 v6, v0;
	v6 =	vld [tilespmem:s31+$0xF3E0]  }
0x57: {  	s26 =	simm.s32 $0x170;
	s28 =	simm.s32 $0x7C0;
	v10 =	vadd.f32 v10, v8;
	v9 =	vadd.f32 v13, v9;
	v8 =	vld [tilespmem:s31+$0xF3F0]  }
.LBB2_5:
0x58: {  	p1 =	sne.s32 s28, $0x63C0;
	v13 =	vld [tilespmem:s26+$0xF400];
	v5 =	vadd.f32 v12, v5  }
0x59: {  	v14 =	vld [tilespmem:s26+$0xF390];
	v4 =	vadd.f32 v11, v4  }
0x5a: {  	v15 =	vld [tilespmem:s26+$0xF3A0];
	v3 =	vadd.f32 v7, v3  }
.Ltmp1:
0x5b: {  	v12 =	vld [tilespmem:s26+$0xF3B0];
	v2 =	vadd.f32 v6, v2;
	(pc) =	sbr.rel @p1 .LBB2_5-.Ltmp1, $4  }
0x5c: {  	v11 =	vld [tilespmem:s26+$0xF3C0];
	v1 =	vadd.f32 v8, v1  }
0x5d: {  	v7 =	vld [tilespmem:s26+$0xF3D0];
	v0 =	vadd.f32 v13, v0  }
0x5e: {  	v10 =	vadd.f32 v14, v10;
	v6 =	vld [tilespmem:s26+$0xF3E0]  }
0x5f: {  	v9 =	vadd.f32 v15, v9;
	v8 =	vld [tilespmem:s26+$0xF3F0];
	s26 =	sshra.s32 s28, $0x2;
	s28 =	sadd.s32 $0x200, s28  }
0x60: {  	s28 =	sor.u32 $0x1, s24  }
0x61: {  	s29 =	smulhi.u32 $0x2AAAAAAB, s28  }
0x62: {  	v14 =	vld [tilespmem:s26+$0xF390]  }
0x63: {  	v15 =	vld [tilespmem:s26+$0xF3A0];
	s29 =	sshrl.u32 s29, $0x3  }
0x64: {  	v16 =	vld [tilespmem:s26+$0xF3B0];
	s29 =	smul.u32 $0x30, s29  }
0x65: {  	v17 =	vld [tilespmem:s26+$0xF3C0]  }
0x66: {  	v18 =	vld [tilespmem:s26+$0xF3D0];
	s28 =	ssub.s32 s28, s29  }
0x67: {  	v5 =	vadd.f32 v12, v5;
	v12 =	vld [tilespmem:s26+$0xF3E0];
	v10 =	vadd.f32 v14, v10;
	s28 =	sshll.u32 s28, $0x7  }
0x68: {  	v4 =	vadd.f32 v11, v4;
	v11 =	vld [tilespmem:s26+$0xF3F0];
	v9 =	vadd.f32 v15, v9;
	s29 =	sor.u32 $0xC000, s28  }
0x69: {  	v13 =	vld [tilespmem:s26+$0xF400];
	v3 =	vadd.f32 v7, v3;
	v5 =	vadd.f32 v16, v5;
	s30 =	sor.u32 $0xC010, s28;
	[tilespmem:s29+$0x0] =	vst v10  }
0x6a: {  	v2 =	vadd.f32 v6, v2;
	v4 =	vadd.f32 v17, v4;
	s31 =	sor.u32 $0xC020, s28;
	[tilespmem:s30+$0x0] =	vst v9  }
0x6b: {  	v1 =	vadd.f32 v8, v1;
	v3 =	vadd.f32 v18, v3;
	s29 =	sor.u32 $0xC030, s28;
	[tilespmem:s31+$0x0] =	vst v5  }
0x6c: {  	v2 =	vadd.f32 v12, v2;
	s30 =	sor.u32 $0xC040, s28;
	[tilespmem:s29+$0x0] =	vst v4  }
0x6d: {  	v1 =	vadd.f32 v11, v1;
	s31 =	sor.u32 $0xC050, s28;
	[tilespmem:s30+$0x0] =	vst v3  }
0x6e: {  	v0 =	vadd.f32 v13, v0;
	s29 =	sor.u32 $0xC060, s28;
	[tilespmem:s31+$0x0] =	vst v2  }
0x6f: {  	s30 =	sor.u32 $0xC070, s28;
	[tilespmem:s29+$0x0] =	vst v1  }
0x70: {  	s26 =	sadd.s32 @!p0 $0x280, s25;
	s28 =	simm.s32 @!p0 $0x32;
	s29 =	simm.s32 @!p0 $0xF400;
	[tilespmem:s30+$0x0] =	vst v0  }
0x71: {  	[tilespmem:s29], [sflag:$0x2] =	stream.indirect.gather @!p0 [hbm4b:s2+s28], $0x80, s26, s28, $0xb8;
	[tilespmem:$0x14800] =	vst v63  }
0x72: {  	_ =	swait.ge [sflag:s19], $0x1900  }
0x73: {  	[sflag:s19] =	ssyncset.done $0x0  }
0x74: {  	[sflag:s19] =	ssyncadd.s32 $0xFFFFE700  }
0x75: {  	v8 =	vld [tilespmem:$0x11000]  }
0x76: {  	v9 =	vld [tilespmem:$0x11010]  }
0x77: {  	v5 =	vld [tilespmem:$0x11020]  }
0x78: {  	v4 =	vld [tilespmem:$0x11030]  }
0x79: {  	v3 =	vld [tilespmem:$0x11040]  }
0x7a: {  	v2 =	vld [tilespmem:$0x11050]  }
0x7b: {  	v1 =	vld [tilespmem:$0x11060]  }
0x7c: {  	s31 =	simm.s32 $0xF0;
	v0 =	vld [tilespmem:$0x11070]  }
0x7d: {  	v6 =	vld [tilespmem:s31+$0x11000]  }
0x7e: {  	v10 =	vld [tilespmem:s31+$0x10F90]  }
0x7f: {  	v13 =	vld [tilespmem:s31+$0x10FA0]  }
0x80: {  	v12 =	vld [tilespmem:s31+$0x10FB0]  }
0x81: {  	v11 =	vld [tilespmem:s31+$0x10FC0]  }
0x82: {  	v7 =	vld [tilespmem:s31+$0x10FD0]  }
0x83: {  	v0 =	vadd.f32 v6, v0;
	v6 =	vld [tilespmem:s31+$0x10FE0]  }
0x84: {  	s26 =	simm.s32 $0x170;
	s28 =	simm.s32 $0x7C0;
	v10 =	vadd.f32 v10, v8;
	v9 =	vadd.f32 v13, v9;
	v8 =	vld [tilespmem:s31+$0x10FF0]  }
.LBB2_7:
0x85: {  	p1 =	sne.s32 s28, $0x63C0;
	v13 =	vld [tilespmem:s26+$0x11000];
	v5 =	vadd.f32 v12, v5  }
0x86: {  	v14 =	vld [tilespmem:s26+$0x10F90];
	v4 =	vadd.f32 v11, v4  }
0x87: {  	v15 =	vld [tilespmem:s26+$0x10FA0];
	v3 =	vadd.f32 v7, v3  }
.Ltmp2:
0x88: {  	v12 =	vld [tilespmem:s26+$0x10FB0];
	v2 =	vadd.f32 v6, v2;
	(pc) =	sbr.rel @p1 .LBB2_7-.Ltmp2, $4  }
0x89: {  	v11 =	vld [tilespmem:s26+$0x10FC0];
	v1 =	vadd.f32 v8, v1  }
0x8a: {  	v7 =	vld [tilespmem:s26+$0x10FD0];
	v0 =	vadd.f32 v13, v0  }
0x8b: {  	v10 =	vadd.f32 v14, v10;
	v6 =	vld [tilespmem:s26+$0x10FE0]  }
0x8c: {  	v9 =	vadd.f32 v15, v9;
	v8 =	vld [tilespmem:s26+$0x10FF0];
	s26 =	sshra.s32 s28, $0x2;
	s28 =	sadd.s32 $0x200, s28  }
0x8d: {  	s28 =	sor.u32 $0x2, s24  }
0x8e: {  	s29 =	smulhi.u32 $0x2AAAAAAB, s28  }
0x8f: {  	v14 =	vld [tilespmem:s26+$0x10F90]  }
0x90: {  	v15 =	vld [tilespmem:s26+$0x10FA0];
	s29 =	sshrl.u32 s29, $0x3  }
0x91: {  	v16 =	vld [tilespmem:s26+$0x10FB0];
	s29 =	smul.u32 $0x30, s29  }
0x92: {  	v17 =	vld [tilespmem:s26+$0x10FC0]  }
0x93: {  	v18 =	vld [tilespmem:s26+$0x10FD0];
	s28 =	ssub.s32 s28, s29  }
0x94: {  	v5 =	vadd.f32 v12, v5;
	v12 =	vld [tilespmem:s26+$0x10FE0];
	v10 =	vadd.f32 v14, v10;
	s28 =	sshll.u32 s28, $0x7  }
0x95: {  	v4 =	vadd.f32 v11, v4;
	v11 =	vld [tilespmem:s26+$0x10FF0];
	v9 =	vadd.f32 v15, v9;
	s29 =	sor.u32 $0xC000, s28  }
0x96: {  	v13 =	vld [tilespmem:s26+$0x11000];
	v3 =	vadd.f32 v7, v3;
	v5 =	vadd.f32 v16, v5;
	s30 =	sor.u32 $0xC010, s28;
	[tilespmem:s29+$0x0] =	vst v10  }
0x97: {  	v2 =	vadd.f32 v6, v2;
	v4 =	vadd.f32 v17, v4;
	s31 =	sor.u32 $0xC020, s28;
	[tilespmem:s30+$0x0] =	vst v9  }
0x98: {  	v1 =	vadd.f32 v8, v1;
	v3 =	vadd.f32 v18, v3;
	s29 =	sor.u32 $0xC030, s28;
	[tilespmem:s31+$0x0] =	vst v5  }
0x99: {  	v2 =	vadd.f32 v12, v2;
	s30 =	sor.u32 $0xC040, s28;
	[tilespmem:s29+$0x0] =	vst v4  }
0x9a: {  	v1 =	vadd.f32 v11, v1;
	s31 =	sor.u32 $0xC050, s28;
	[tilespmem:s30+$0x0] =	vst v3  }
0x9b: {  	v0 =	vadd.f32 v13, v0;
	s29 =	sor.u32 $0xC060, s28;
	[tilespmem:s31+$0x0] =	vst v2  }
0x9c: {  	s30 =	sor.u32 $0xC070, s28;
	[tilespmem:s29+$0x0] =	vst v1  }
0x9d: {  	s26 =	sadd.s32 @!p0 $0x300, s25;
	s28 =	simm.s32 @!p0 $0x32;
	s29 =	simm.s32 @!p0 $0x11000;
	[tilespmem:s30+$0x0] =	vst v0  }
0x9e: {  	[tilespmem:s29], [sflag:$0x3] =	stream.indirect.gather @!p0 [hbm4b:s2+s28], $0x80, s26, s28, $0xb8;
	[tilespmem:$0x14800] =	vst v63  }
0x9f: {  	_ =	swait.ge [sflag:s20], $0x1900  }
0xa0: {  	[sflag:s20] =	ssyncset.done $0x0  }
0xa1: {  	[sflag:s20] =	ssyncadd.s32 $0xFFFFE700  }
0xa2: {  	v8 =	vld [tilespmem:$0x12C00]  }
0xa3: {  	v9 =	vld [tilespmem:$0x12C10]  }
0xa4: {  	v5 =	vld [tilespmem:$0x12C20]  }
0xa5: {  	v4 =	vld [tilespmem:$0x12C30]  }
0xa6: {  	v3 =	vld [tilespmem:$0x12C40]  }
0xa7: {  	v2 =	vld [tilespmem:$0x12C50]  }
0xa8: {  	v1 =	vld [tilespmem:$0x12C60]  }
0xa9: {  	s31 =	simm.s32 $0xF0;
	v0 =	vld [tilespmem:$0x12C70]  }
0xaa: {  	v6 =	vld [tilespmem:s31+$0x12C00]  }
0xab: {  	v10 =	vld [tilespmem:s31+$0x12B90]  }
0xac: {  	v13 =	vld [tilespmem:s31+$0x12BA0]  }
0xad: {  	v12 =	vld [tilespmem:s31+$0x12BB0]  }
0xae: {  	v11 =	vld [tilespmem:s31+$0x12BC0]  }
0xaf: {  	v7 =	vld [tilespmem:s31+$0x12BD0]  }
0xb0: {  	v0 =	vadd.f32 v6, v0;
	v6 =	vld [tilespmem:s31+$0x12BE0]  }
0xb1: {  	s26 =	simm.s32 $0x170;
	s28 =	simm.s32 $0x7C0;
	v10 =	vadd.f32 v10, v8;
	v9 =	vadd.f32 v13, v9;
	v8 =	vld [tilespmem:s31+$0x12BF0]  }
.LBB2_9:
0xb2: {  	p1 =	sne.s32 s28, $0x63C0;
	v13 =	vld [tilespmem:s26+$0x12C00];
	v5 =	vadd.f32 v12, v5  }
0xb3: {  	v14 =	vld [tilespmem:s26+$0x12B90];
	v4 =	vadd.f32 v11, v4  }
0xb4: {  	v15 =	vld [tilespmem:s26+$0x12BA0];
	v3 =	vadd.f32 v7, v3  }
.Ltmp3:
0xb5: {  	v12 =	vld [tilespmem:s26+$0x12BB0];
	v2 =	vadd.f32 v6, v2;
	(pc) =	sbr.rel @p1 .LBB2_9-.Ltmp3, $4  }
0xb6: {  	v11 =	vld [tilespmem:s26+$0x12BC0];
	v1 =	vadd.f32 v8, v1  }
0xb7: {  	v7 =	vld [tilespmem:s26+$0x12BD0];
	v0 =	vadd.f32 v13, v0  }
0xb8: {  	v10 =	vadd.f32 v14, v10;
	v6 =	vld [tilespmem:s26+$0x12BE0]  }
0xb9: {  	v9 =	vadd.f32 v15, v9;
	v8 =	vld [tilespmem:s26+$0x12BF0];
	s26 =	sshra.s32 s28, $0x2;
	s28 =	sadd.s32 $0x200, s28  }
0xba: {  	s24 =	sor.u32 $0x3, s24  }
0xbb: {  	s28 =	smulhi.u32 $0x2AAAAAAB, s24  }
0xbc: {  	v14 =	vld [tilespmem:s26+$0x12B90]  }
0xbd: {  	v15 =	vld [tilespmem:s26+$0x12BA0];
	s28 =	sshrl.u32 s28, $0x3  }
0xbe: {  	v16 =	vld [tilespmem:s26+$0x12BB0];
	s28 =	smul.u32 $0x30, s28  }
0xbf: {  	v17 =	vld [tilespmem:s26+$0x12BC0]  }
0xc0: {  	v18 =	vld [tilespmem:s26+$0x12BD0];
	s24 =	ssub.s32 s24, s28  }
0xc1: {  	v5 =	vadd.f32 v12, v5;
	v62 =	vld [tilespmem:s26+$0x12BE0];
	v10 =	vadd.f32 v14, v10;
	s24 =	sshll.u32 s24, $0x7  }
0xc2: {  	v63 =	vld [tilespmem:s26+$0x12BF0];
	v4 =	vadd.f32 v11, v4;
	v9 =	vadd.f32 v15, v9;
	s29 =	sor.u32 $0xC000, s24  }
0xc3: {  	v13 =	vld [tilespmem:s26+$0x12C00];
	v3 =	vadd.f32 v7, v3;
	v5 =	vadd.f32 v16, v5;
	s30 =	sor.u32 $0xC010, s24;
	[tilespmem:s29+$0x0] =	vst v10  }
0xc4: {  	v2 =	vadd.f32 v6, v2;
	v4 =	vadd.f32 v17, v4;
	s31 =	sor.u32 $0xC020, s24;
	[tilespmem:s30+$0x0] =	vst v9  }
0xc5: {  	v1 =	vadd.f32 v8, v1;
	v3 =	vadd.f32 v18, v3;
	s28 =	sor.u32 $0xC030, s24;
	[tilespmem:s31+$0x0] =	vst v5  }
0xc6: {  	v2 =	vadd.f32 v62, v2;
	s29 =	sor.u32 $0xC040, s24;
	[tilespmem:s28+$0x0] =	vst v4  }
0xc7: {  	v1 =	vadd.f32 v63, v1;
	s30 =	sor.u32 $0xC050, s24;
	[tilespmem:s29+$0x0] =	vst v3  }
0xc8: {  	v0 =	vadd.f32 v13, v0;
	s31 =	sor.u32 $0xC060, s24;
	[tilespmem:s30+$0x0] =	vst v2  }
0xc9: {  	s25 =	sadd.s32 @!p0 $0x380, s25;
	s24 =	sor.u32 $0xC070, s24;
	[tilespmem:s31+$0x0] =	vst v1  }
0xca: {  	s26 =	simm.s32 @!p0 $0x12C00;
	s28 =	smul.u32 @!p0 $0xAAAAAAAB, s23;
	[tilespmem:s24+$0x0] =	vst v0;
	s24 =	simm.s32 @!p0 $0x32  }
0xcb: {  	[tilespmem:s26], [sflag:$0x4] =	stream.indirect.gather @!p0 [hbm4b:s2+s24], $0x80, s25, s24, $0xb8;
	[tilespmem:$0x14800] =	vst v63  }
0xcc: {  	s24 =	sadd.s32 @!p0 $0xAAAAAAA7, s28  }
0xcd: {  	s25 =	sshll.u32 @!p0 s24, $0x1E;
	s24 =	sshrl.u32 @!p0 s24, $0x2  }
0xce: {  	s24 =	sor.u32 @!p0 s25, s24  }
0xcf: {  	p1 =	sgt.u32 @!p0 s24, $0x15555554  }
0xd0: {  	p0 =	por p0, !p1  }
0xd1: {  	s24 =	smulhi.u32 @p0 $0xAAAAAAAB, s23;
	_ =	sdelay $0x1  }
0xd2: {  	s24 =	sshrl.u32 @p0 s24, $0x3  }
0xd3: {  	s24 =	sadd.s32 @p0 s6, s24  }
0xd4: {  	s24 =	smul.u32 @p0 $0x300, s24;
	_ =	sdelay $0x1  }
0xd5: {  	s24 =	sadd.s32 @p0 s4, s24  }
0xd6: {  	[hbm4b:s24+s3] =	stream.linear.scatter @p0 [tilespmem:s21], [sflag:$0x5], $0x1800, $0x38;
	[tilespmem:$0x14800] =	vst v63  }
0xd7: {  	_ =	swait.ge @p0 [sflag:s8], $0x1800  }
0xd8: {  	s23 =	sadd.s32 $0x1, s23;
	[sflag:s8] =	ssyncset.done @p0 $0x0  }
0xd9: {  	[sflag:s8] =	ssyncadd.s32 @p0 $0xFFFFE800;
	p0 =	sne.s32 s23, $0x60  }
.Ltmp4:
0xda: {  	_ = 	snop;
	(pc) =	sbr.rel @p0 .LBB2_2-.Ltmp4, $1  }
0xdb: {  	_ =	sdelay $0x3  }
0xdc: {  	s22 =	sadd.s32 $0x1, s22  }
0xdd: {  	p0 =	sne.s32 s22, s7  }
.Ltmp5:
0xde: {  	_ = 	snop;
	(pc) =	sbr.rel @p0 .LBB2_1-.Ltmp5, $1  }
0xdf: {  	_ =	sdelay $0x3  }
0xe0: {  	_ =	sfence.sel $0x180000  }
0xe1: {  	[bflag:$0x0] =	sbarrier.arrive $0xFFFF  }
0xe2: {  	p0 =	sne.s32 s0, $0x0;
	_ =	strace $0x90000047  }
0xe3: {  	s0 =	sadd.s32 @!p0 $0x100000, s1;
	[bflag:$0x2] =	sbarrier.arrive $0xFFFF  }
0xe4: {  	[sflag:s0] =	ssyncadd.tile.s32 @!p0 $0x1;
	_ =	shalt  }
.Lfunc_end2:
_tile_overlayer_lowered:
.L_overlay_start_2:
0xe5: {  	(tag) =	ssettag $0x2  }
0xe6: {  	s0 =	rddreg [dreg:$0x0];
	s2 =	stileid.u32  }
0xe7: {  	s1 =	rddreg [dreg:$0x1];
	p0 =	sne.s32 s2, $0x0  }
0xe8: {  	s3 =	rddreg [dreg:$0x2];
	[bflag:$0x3] =	sbarrier.arrive $0xFFFF;
	s2 =	simm.s32 @!p0 $0x1C05  }
0xe9: {  	[timem:s3], [sflag:s2] =	dma.local @!p0 [hbm:s0], s1  }
0xea: {  	s0 =	simm.s32 @!p0 $0x5  }
0xeb: {  	_ =	swait.ge @!p0 [sflag:s0], s1  }
0xec: {  	s1 =	ssub.s32 @!p0 $0x0, s1;
	[sflag:s0] =	ssyncset.done @!p0 $0x0  }
0xed: {  	[sflag:s0] =	ssyncadd.s32 @!p0 s1  }
0xee: {  	[bflag:$0x3] =	sbarrier.arrive $0xFFFF  }
0xef: {  	_ =	shalt  }

</sc_bundles>
